<compile_context>
chip_gen: v7x
topology: tpu7x:2x2x1
jax: 0.10.2.dev20260603
libtpu: 0.0.44.dev20260713+nightly
codegen_flags: <defaults>
</compile_context>

<pallas_src>
import dataclasses
import functools

import jax
import jax.numpy as jnp
from jax import lax
from jax.experimental import pallas as pl
from jax.experimental.pallas import tpu as pltpu
from jax.experimental.pallas import tpu_sc as plsc

N = 10000
E = 320000
D_IN = 128
D_HID = 100
DP = 128
NCLS = 10
CP = 16

NC = 2
NS = 16
NW = NC * NS
BLK = 128
NBLK_ALL = E // BLK
NBLK_LO = NBLK_ALL // NW
NBLK_XTRA = NBLK_ALL - NBLK_LO * NW
DEG_GRP = 2000
DEG_NGRP = (E // NW) // DEG_GRP
NPAD = 10240
RPW = NPAD // NS


def _worker_blocks(wid):
    nblk = jnp.where(wid < NBLK_XTRA, NBLK_LO + 1, NBLK_LO)
    base = wid * NBLK_LO + jnp.minimum(wid, NBLK_XTRA)
    return base, nblk

ROWBLK = 2048
NROWBLK = NPAD // ROWBLK

_MESH = plsc.VectorSubcoreMesh(core_axis_name="c", subcore_axis_name="s")
_SC_PARAMS = pltpu.CompilerParams(use_tc_tiling_on_sc=False)
_SC_PARAMS_NL = _SC_PARAMS
if "needs_layout_passes" in pltpu.CompilerParams.__dataclass_fields__:
    _SC_PARAMS_NL = dataclasses.replace(_SC_PARAMS, needs_layout_passes=False)


def _deg_sc(ei):

    @functools.partial(
        pl.kernel,
        mesh=_MESH,
        compiler_params=_SC_PARAMS_NL,
        out_type=jax.ShapeDtypeStruct((NC, NPAD, 16), jnp.float32),
        scratch_types=[
            pltpu.VMEM_SHARED((NS, NPAD), jnp.float32),
            pltpu.VMEM((NPAD,), jnp.float32),
            pltpu.VMEM((NS, RPW), jnp.float32),
            pltpu.VMEM((RPW,), jnp.float32),
            pltpu.VMEM((RPW, 16), jnp.float32),
            pltpu.VMEM((DEG_GRP,), jnp.int32),
            pltpu.VMEM((DEG_GRP,), jnp.int32),
            pltpu.SemaphoreType.DMA,
            pltpu.SemaphoreType.DMA,
        ],
    )
    def k(ei_hbm, deg_hbm, stag, hist_v, m_v, a_v, bcast_v, didx0, didx1,
          semI0, semI1):
        dst_hbm = ei_hbm.at[1]
        c = lax.axis_index("c")
        s = lax.axis_index("s")
        wid = c * NS + s
        base0 = wid * (E // NW)
        didx = (didx0, didx1)
        semI = (semI0, semI1)

        pltpu.async_copy(dst_hbm.at[pl.ds(base0, DEG_GRP)], didx0, semI0)

        zero16 = jnp.zeros((16,), jnp.float32)
        ones = jnp.ones((16,), jnp.float32)

        @pl.loop(0, NPAD // 16)
        def _(i):
            hist_v[pl.ds(i * 16, 16)] = zero16

        for g in range(DEG_NGRP):
            p = g % 2
            q = 1 - p
            pltpu.make_async_copy(dst_hbm.at[pl.ds(0, DEG_GRP)], didx[p],
                                  semI[p]).wait()
            if g < DEG_NGRP - 1:
                pltpu.async_copy(
                    dst_hbm.at[pl.ds(base0 + (g + 1) * DEG_GRP, DEG_GRP)],
                    didx[q], semI[q])

            @pl.loop(0, DEG_GRP // 16)
            def _(i):
                idxv = didx[p][pl.ds(i * 16, 16)]
                plsc.addupdate_scatter(hist_v, [idxv], ones)

        pltpu.sync_copy(hist_v, stag.at[s])
        plsc.subcore_barrier()
        pltpu.sync_copy(stag.at[:, pl.ds(s * RPW, RPW)], m_v)

        @pl.loop(0, RPW // 16)
        def _(i):
            acc = m_v[0, pl.ds(i * 16, 16)]
            for r in range(1, NS):
                acc = acc + m_v[r, pl.ds(i * 16, 16)]
            a_v[pl.ds(i * 16, 16)] = acc
            rowidx = i * 16 + lax.iota(jnp.int32, 16)
            plsc.store_scatter(bcast_v, [rowidx, jnp.zeros((16,), jnp.int32)],
                               acc)

        pltpu.sync_copy(bcast_v, deg_hbm.at[c, pl.ds(s * RPW, RPW)])

    return k(ei)


def _agg_sc(ei, ytab, disrows):

    @functools.partial(
        pl.kernel,
        mesh=_MESH,
        compiler_params=_SC_PARAMS,
        out_type=(
            jax.ShapeDtypeStruct((NC, NPAD, DP), jnp.float32),
            jax.ShapeDtypeStruct((NC, NPAD, 16), jnp.float32),
        ),
        scratch_types=[
            pltpu.VMEM_SHARED((NPAD, DP), jnp.float32),
            pltpu.VMEM_SHARED((NPAD, 16), jnp.float32),
            pltpu.VMEM((BLK, DP), jnp.float32),
            pltpu.VMEM((BLK, DP), jnp.float32),
            pltpu.VMEM((BLK, 16), jnp.float32),
            pltpu.VMEM((BLK, 16), jnp.float32),
            pltpu.VMEM((BLK,), jnp.int32),
            pltpu.VMEM((BLK,), jnp.int32),
            pltpu.VMEM((BLK,), jnp.int32),
            pltpu.VMEM((BLK,), jnp.int32),
            pltpu.SemaphoreType.DMA,
            pltpu.SemaphoreType.DMA,
            pltpu.SemaphoreType.DMA,
            pltpu.SemaphoreType.DMA,
            pltpu.SemaphoreType.DMA,
            pltpu.SemaphoreType.DMA,
        ],
    )
    def k(ei_hbm, y_hbm, dr_hbm,
          acc_hbm, s_hbm, accsh, ssh, rows0, rows1, drows0, drows1,
          sidx0, sidx1, didx0, didx1, semI0, semI1, semG0, semG1,
          semD0, semD1):
        src_hbm = ei_hbm.at[0]
        dst_hbm = ei_hbm.at[1]
        c = lax.axis_index("c")
        s = lax.axis_index("s")
        wid = c * NS + s
        zero16 = jnp.zeros((16,), jnp.float32)

        @pl.loop(0, BLK)
        def _(r):
            for l in range(DP // 16):
                rows0[r, pl.ds(l * 16, 16)] = zero16
            drows0[r] = zero16

        for kk in range(RPW // BLK):
            pltpu.sync_copy(rows0, accsh.at[pl.ds(s * RPW + kk * BLK, BLK)])
            pltpu.sync_copy(drows0, ssh.at[pl.ds(s * RPW + kk * BLK, BLK)])
        plsc.subcore_barrier()
        base0, nblk = _worker_blocks(wid)
        rows = (rows0, rows1)
        drows = (drows0, drows1)
        sidx = (sidx0, sidx1)
        didx = (didx0, didx1)
        semI = (semI0, semI1)
        semG = (semG0, semG1)
        semD = (semD0, semD1)

        def idx_fetch(j, p):
            pltpu.async_copy(src_hbm.at[pl.ds((base0 + j) * BLK, BLK)],
                             sidx[p], semI[p])
            pltpu.async_copy(dst_hbm.at[pl.ds((base0 + j) * BLK, BLK)],
                             didx[p], semI[p])

        def idx_wait(p):
            pltpu.make_async_copy(src_hbm.at[pl.ds(0, BLK)], sidx[p],
                                  semI[p]).wait()
            pltpu.make_async_copy(src_hbm.at[pl.ds(0, BLK)], didx[p],
                                  semI[p]).wait()

        def gathers(p):
            pltpu.async_copy(y_hbm.at[sidx[p]], rows[p], semG[p])
            pltpu.async_copy(dr_hbm.at[didx[p]], drows[p], semD[p])

        def scatters(p):
            pltpu.make_async_copy(y_hbm.at[sidx[p]], rows[p], semG[p]).wait()
            pltpu.sync_copy(rows[p], accsh.at[didx[p]], add=True)
            pltpu.make_async_copy(dr_hbm.at[didx[p]], drows[p],
                                  semD[p]).wait()
            pltpu.sync_copy(drows[p], ssh.at[sidx[p]], add=True)

        idx_fetch(0, 0)
        idx_fetch(1, 1)
        idx_wait(0)
        gathers(0)

        @pl.loop(0, (NBLK_LO + 2) // 2)
        def _(jj):
            j0 = jj * 2
            for p in (0, 1):
                j = j0 + p
                q = 1 - p

                @pl.when(j < nblk)
                def _():
                    @pl.when(j < nblk - 1)
                    def _():
                        idx_wait(q)
                        gathers(q)

                    scatters(p)

                    @pl.when(j < nblk - 2)
                    def _():
                        idx_fetch(j + 2, p)

        plsc.subcore_barrier()
        pltpu.sync_copy(accsh.at[pl.ds(s * RPW, RPW)],
                        acc_hbm.at[c, pl.ds(s * RPW, RPW)])
        pltpu.sync_copy(ssh.at[pl.ds(s * RPW, RPW)],
                        s_hbm.at[c, pl.ds(s * RPW, RPW)])

    return k(ei, ytab, disrows)


def _mm_tc(xp, W1p):
    def body(x_ref, w_ref, o_ref):
        o_ref[...] = jnp.dot(x_ref[...], w_ref[...],
                             preferred_element_type=jnp.float32)

    return pl.pallas_call(
        body,
        grid=(NROWBLK,),
        in_specs=[
            pl.BlockSpec((ROWBLK, D_IN), lambda i: (i, 0)),
            pl.BlockSpec((D_IN, DP), lambda i: (0, 0)),
        ],
        out_specs=pl.BlockSpec((ROWBLK, DP), lambda i: (i, 0)),
        out_shape=jax.ShapeDtypeStruct((NPAD, DP), jnp.float32),
    )(xp, W1p)


def _prep_tc(h0, degp):
    def body(h_ref, d_ref, y_ref, dr_ref):
        deg = d_ref[0, :, 0:1] + d_ref[1, :, 0:1] + 1.0
        dis = lax.rsqrt(deg)
        y_ref[...] = h_ref[...] * dis
        dr_ref[...] = jnp.broadcast_to(dis, (ROWBLK, 16))

    return pl.pallas_call(
        body,
        grid=(NROWBLK,),
        in_specs=[
            pl.BlockSpec((ROWBLK, DP), lambda i: (i, 0)),
            pl.BlockSpec((NC, ROWBLK, 16), lambda i: (0, i, 0)),
        ],
        out_specs=[
            pl.BlockSpec((ROWBLK, DP), lambda i: (i, 0)),
            pl.BlockSpec((ROWBLK, 16), lambda i: (i, 0)),
        ],
        out_shape=[
            jax.ShapeDtypeStruct((NPAD, DP), jnp.float32),
            jax.ShapeDtypeStruct((NPAD, 16), jnp.float32),
        ],
    )(h0, degp)


def _fin_tc(accp, spart, ytab, disrows, b1p, W2p, b2p):
    def body(acc_ref, s_ref, y_ref, dr_ref, b1_ref, w2_ref, b2_ref,
             o_ref, vacc):
        i = pl.program_id(0)

        @pl.when(i == 0)
        def _():
            vacc[...] = jnp.zeros((1, DP), jnp.float32)

        dis = dr_ref[:, 0:1]
        acc = acc_ref[0] + acc_ref[1]
        h1 = dis * (acc + y_ref[...]) + b1_ref[...]
        r = jnp.maximum(h1, 0.0)
        sp = s_ref[0, :, 0:1] + s_ref[1, :, 0:1]
        sfull = dis * (sp + dis)
        rowid = i * ROWBLK + lax.broadcasted_iota(jnp.int32, (ROWBLK, 1), 0)
        sfull = jnp.where(rowid < N, sfull, 0.0)
        vacc[...] += jnp.sum(r * sfull, axis=0, keepdims=True)

        @pl.when(i == NROWBLK - 1)
        def _():
            v = vacc[...]
            pooled = jnp.dot(v, w2_ref[...],
                             preferred_element_type=jnp.float32)
            pooled = pooled * (1.0 / N) + b2_ref[...]
            laneid = lax.broadcasted_iota(jnp.int32, (1, CP), 1)
            valid = laneid < NCLS
            pm = jnp.where(valid, pooled, -1e30)
            m = jnp.max(pm, axis=1, keepdims=True)
            e = jnp.where(valid, jnp.exp(pooled - m), 0.0)
            lse = jnp.log(jnp.sum(e, axis=1, keepdims=True))
            o_ref[...] = pooled - m - lse

    return pl.pallas_call(
        body,
        grid=(NROWBLK,),
        in_specs=[
            pl.BlockSpec((NC, ROWBLK, DP), lambda i: (0, i, 0)),
            pl.BlockSpec((NC, ROWBLK, 16), lambda i: (0, i, 0)),
            pl.BlockSpec((ROWBLK, DP), lambda i: (i, 0)),
            pl.BlockSpec((ROWBLK, 16), lambda i: (i, 0)),
            pl.BlockSpec((1, DP), lambda i: (0, 0)),
            pl.BlockSpec((DP, CP), lambda i: (0, 0)),
            pl.BlockSpec((1, CP), lambda i: (0, 0)),
        ],
        out_specs=pl.BlockSpec((1, CP), lambda i: (0, 0)),
        out_shape=jax.ShapeDtypeStruct((1, CP), jnp.float32),
        scratch_shapes=[pltpu.VMEM((1, DP), jnp.float32)],
    )(accp, spart, ytab, disrows, b1p, W2p, b2p)


def kernel(x, edge_index, W1, b1, W2, b2):
    ei = edge_index.astype(jnp.int32)

    xp = jnp.pad(x.astype(jnp.float32), ((0, NPAD - N), (0, 0)))
    W1p = jnp.pad(W1.astype(jnp.float32), ((0, 0), (0, DP - D_HID)))
    b1p = jnp.pad(b1.astype(jnp.float32), (0, DP - D_HID)).reshape(1, DP)
    W2p = jnp.pad(W2.astype(jnp.float32), ((0, DP - D_HID), (0, CP - NCLS)))
    b2p = jnp.pad(b2.astype(jnp.float32), (0, CP - NCLS)).reshape(1, CP)

    degp = _deg_sc(ei)
    h0 = _mm_tc(xp, W1p)
    ytab, disrows = _prep_tc(h0, degp)
    accp, spart = _agg_sc(ei, ytab, disrows)
    out16 = _fin_tc(accp, spart, ytab, disrows, b1p, W2p, b2p)
    return out16[:, :NCLS]

# --- scband reference (transcript-rebuilt; emitter-appended) ---
"""Pipeline reference for scband-net-17549236372085 (READ-ONLY COPY).

The authoritative reference and input builder live on the scoring server;
editing this copy changes nothing except your own understanding.
"""

import jax, jax.numpy as jnp
import numpy as np

N_NODES = 10000
N_EDGES = 320000
D_IN = 128
D_HID = 100
N_CLASSES = 10


def setup_inputs(seed: int = 0) -> dict:
    key = jax.random.key(seed)
    k1, k2, k3, k4, k5, k6 = jax.random.split(key, 6)
    x = jax.random.normal(k1, (N_NODES, D_IN), dtype=jnp.float32)
    edge_index = jax.random.randint(k2, (2, N_EDGES), 0, N_NODES, dtype=jnp.int64)
    # Glorot-style init for GCN weights
    W1 = jax.random.normal(k3, (D_IN, D_HID), dtype=jnp.float32) * (1.0 / np.sqrt(D_IN))
    b1 = jnp.zeros((D_HID,), dtype=jnp.float32)
    W2 = jax.random.normal(k4, (D_HID, N_CLASSES), dtype=jnp.float32) * (1.0 / np.sqrt(D_HID))
    b2 = jnp.zeros((N_CLASSES,), dtype=jnp.float32)
    return {"x": x, "edge_index": edge_index, "W1": W1, "b1": b1, "W2": W2, "b2": b2}


def _gcn_conv(x, src, dst, W, b, n_nodes):
    # GCNConv: symmetric normalization with self-loops (PyG default)
    deg = jnp.zeros((n_nodes,), dtype=x.dtype).at[dst].add(1.0)
    deg_inv_sqrt = jnp.where(deg > 0, jax.lax.rsqrt(deg), 0.0)
    norm = deg_inv_sqrt[src] * deg_inv_sqrt[dst]
    h = x @ W
    msg = h[src] * norm[:, None]
    out = jnp.zeros((n_nodes, W.shape[1]), dtype=x.dtype).at[dst].add(msg)
    return out + b


def reference(x, edge_index, W1, b1, W2, b2):
    n_nodes = x.shape[0]
    loop = jnp.arange(n_nodes, dtype=edge_index.dtype)
    src = jnp.concatenate([edge_index[0], loop])
    dst = jnp.concatenate([edge_index[1], loop])
    h = _gcn_conv(x, src, dst, W1, b1, n_nodes)
    h = jax.nn.relu(h)
    # dropout is identity in eval mode
    h = _gcn_conv(h, src, dst, W2, b2, n_nodes)
    # global_mean_pool with batch = zeros -> mean over all nodes, one graph
    pooled = jnp.mean(h, axis=0, keepdims=True)
    return jax.nn.log_softmax(pooled, axis=1)

if __name__ == "__main__":
    import jax
    _d = setup_inputs()
    print(jax.jit(kernel)(*tuple(_d.values())))

</pallas_src>

<mosaic_0001>
#map = affine_map<(d0, d1) -> (0, 0)>
#map1 = affine_map<(d0, d1) -> (0, 0, 0)>
module attributes {stable_mosaic.version = 14 : i64} {
  func.func @k(%arg0: i32, %arg1: i32, %arg2: memref<2x320000xi32, #tpu.memory_space<hbm>>, %arg3: memref<10240x128xf32, #tpu.memory_space<hbm>>, %arg4: memref<10240x16xf32, #tpu.memory_space<hbm>>, %arg5: memref<2x10240x128xf32, #tpu.memory_space<hbm>>, %arg6: memref<2x10240x16xf32, #tpu.memory_space<hbm>>, %arg7: memref<10240x128xf32, #tpu.memory_space<vmem_shared>>, %arg8: memref<10240x16xf32, #tpu.memory_space<vmem_shared>>, %arg9: memref<128x128xf32, #tpu.memory_space<vmem>>, %arg10: memref<128x128xf32, #tpu.memory_space<vmem>>, %arg11: memref<128x16xf32, #tpu.memory_space<vmem>>, %arg12: memref<128x16xf32, #tpu.memory_space<vmem>>, %arg13: memref<128xi32, #tpu.memory_space<vmem>>, %arg14: memref<128xi32, #tpu.memory_space<vmem>>, %arg15: memref<128xi32, #tpu.memory_space<vmem>>, %arg16: memref<128xi32, #tpu.memory_space<vmem>>, %arg17: memref<!tpu.dma_semaphore, #tpu.memory_space<semaphore_mem>>, %arg18: memref<!tpu.dma_semaphore, #tpu.memory_space<semaphore_mem>>, %arg19: memref<!tpu.dma_semaphore, #tpu.memory_space<semaphore_mem>>, %arg20: memref<!tpu.dma_semaphore, #tpu.memory_space<semaphore_mem>>, %arg21: memref<!tpu.dma_semaphore, #tpu.memory_space<semaphore_mem>>, %arg22: memref<!tpu.dma_semaphore, #tpu.memory_space<semaphore_mem>>) attributes {dimension_semantics = [#tpu.dimension_semantics<core_parallel>, #tpu.dimension_semantics<subcore_parallel>], iteration_bounds = array<i64: 2, 16>, scalar_prefetch = 0 : i64, scratch_operands = 16 : i64, tpu.core_type = #tpu.core_type<sc_vector_subcore>, window_params = [{transform_indices = #map}, {transform_indices = #map}, {transform_indices = #map}, {transform_indices = #map1}, {transform_indices = #map1}]} {
    %mul3A = arith.constant 16 : i32
    %mul3A_0 = arith.muli %arg0, %mul3A : i32
    %add3A = arith.addi %mul3A_0, %arg1 : i32
    %broadcast_in_dim3A = arith.constant 0.000000e+00 : f32
    %broadcast_in_dim3A_1 = vector.broadcast %broadcast_in_dim3A : f32 to vector<16xf32>
    %scan3A = arith.constant 0 : i32
    %scan3A_2 = arith.constant 128 : i32
    %scan3A_3 = arith.addi %scan3A, %scan3A_2 : i32
    %scan3A_4 = arith.constant 1 : i32
    scf.for %scan3A_146 = %scan3A to %scan3A_3 step %scan3A_4  : i32 {
      %mul3A_147 = arith.constant 1 : i32
      %mul3A_148 = arith.muli %scan3A_146, %mul3A_147 : i32
      %add3A_149 = arith.constant 0 : i32
      %add3A_150 = arith.addi %add3A_149, %mul3A_148 : i32
      %swap3A = arith.index_cast %add3A_150 : i32 to index
      %swap3A_151 = arith.constant 0 : index
      %swap3A_152 = tpu.vector_load %arg9[%swap3A, %swap3A_151] {strides = array<i32>} : memref<128x128xf32, #tpu.memory_space<vmem>>, vector<1x16xf32>,
      %swap3A_153 = vector.shape_cast %swap3A_152 : vector<1x16xf32> to vector<16xf32>
      %swap3A_154 = vector.shape_cast %broadcast_in_dim3A_1 : vector<16xf32> to vector<1x16xf32>
      tpu.vector_store %arg9[%swap3A, %swap3A_151], %swap3A_154 {strides = array<i32>} : memref<128x128xf32, #tpu.memory_space<vmem>>, vector<1x16xf32>,
      %swap3A_155 = arith.index_cast %add3A_150 : i32 to index
      %swap3A_156 = arith.constant 16 : index
      %swap3A_157 = tpu.vector_load %arg9[%swap3A_155, %swap3A_156] {strides = array<i32>} : memref<128x128xf32, #tpu.memory_space<vmem>>, vector<1x16xf32>,
      %swap3A_158 = vector.shape_cast %swap3A_157 : vector<1x16xf32> to vector<16xf32>
      %swap3A_159 = vector.shape_cast %broadcast_in_dim3A_1 : vector<16xf32> to vector<1x16xf32>
      tpu.vector_store %arg9[%swap3A_155, %swap3A_156], %swap3A_159 {strides = array<i32>} : memref<128x128xf32, #tpu.memory_space<vmem>>, vector<1x16xf32>,
      %swap3A_160 = arith.index_cast %add3A_150 : i32 to index
      %swap3A_161 = arith.constant 32 : index
      %swap3A_162 = tpu.vector_load %arg9[%swap3A_160, %swap3A_161] {strides = array<i32>} : memref<128x128xf32, #tpu.memory_space<vmem>>, vector<1x16xf32>,
      %swap3A_163 = vector.shape_cast %swap3A_162 : vector<1x16xf32> to vector<16xf32>
      %swap3A_164 = vector.shape_cast %broadcast_in_dim3A_1 : vector<16xf32> to vector<1x16xf32>
      tpu.vector_store %arg9[%swap3A_160, %swap3A_161], %swap3A_164 {strides = array<i32>} : memref<128x128xf32, #tpu.memory_space<vmem>>, vector<1x16xf32>,
      %swap3A_165 = arith.index_cast %add3A_150 : i32 to index
      %swap3A_166 = arith.constant 48 : index
      %swap3A_167 = tpu.vector_load %arg9[%swap3A_165, %swap3A_166] {strides = array<i32>} : memref<128x128xf32, #tpu.memory_space<vmem>>, vector<1x16xf32>,
      %swap3A_168 = vector.shape_cast %swap3A_167 : vector<1x16xf32> to vector<16xf32>
      %swap3A_169 = vector.shape_cast %broadcast_in_dim3A_1 : vector<16xf32> to vector<1x16xf32>
      tpu.vector_store %arg9[%swap3A_165, %swap3A_166], %swap3A_169 {strides = array<i32>} : memref<128x128xf32, #tpu.memory_space<vmem>>, vector<1x16xf32>,
      %swap3A_170 = arith.index_cast %add3A_150 : i32 to index
      %swap3A_171 = arith.constant 64 : index
      %swap3A_172 = tpu.vector_load %arg9[%swap3A_170, %swap3A_171] {strides = array<i32>} : memref<128x128xf32, #tpu.memory_space<vmem>>, vector<1x16xf32>,
      %swap3A_173 = vector.shape_cast %swap3A_172 : vector<1x16xf32> to vector<16xf32>
      %swap3A_174 = vector.shape_cast %broadcast_in_dim3A_1 : vector<16xf32> to vector<1x16xf32>
      tpu.vector_store %arg9[%swap3A_170, %swap3A_171], %swap3A_174 {strides = array<i32>} : memref<128x128xf32, #tpu.memory_space<vmem>>, vector<1x16xf32>,
      %swap3A_175 = arith.index_cast %add3A_150 : i32 to index
      %swap3A_176 = arith.constant 80 : index
      %swap3A_177 = tpu.vector_load %arg9[%swap3A_175, %swap3A_176] {strides = array<i32>} : memref<128x128xf32, #tpu.memory_space<vmem>>, vector<1x16xf32>,
      %swap3A_178 = vector.shape_cast %swap3A_177 : vector<1x16xf32> to vector<16xf32>
      %swap3A_179 = vector.shape_cast %broadcast_in_dim3A_1 : vector<16xf32> to vector<1x16xf32>
      tpu.vector_store %arg9[%swap3A_175, %swap3A_176], %swap3A_179 {strides = array<i32>} : memref<128x128xf32, #tpu.memory_space<vmem>>, vector<1x16xf32>,
      %swap3A_180 = arith.index_cast %add3A_150 : i32 to index
      %swap3A_181 = arith.constant 96 : index
      %swap3A_182 = tpu.vector_load %arg9[%swap3A_180, %swap3A_181] {strides = array<i32>} : memref<128x128xf32, #tpu.memory_space<vmem>>, vector<1x16xf32>,
      %swap3A_183 = vector.shape_cast %swap3A_182 : vector<1x16xf32> to vector<16xf32>
      %swap3A_184 = vector.shape_cast %broadcast_in_dim3A_1 : vector<16xf32> to vector<1x16xf32>
      tpu.vector_store %arg9[%swap3A_180, %swap3A_181], %swap3A_184 {strides = array<i32>} : memref<128x128xf32, #tpu.memory_space<vmem>>, vector<1x16xf32>,
      %swap3A_185 = arith.index_cast %add3A_150 : i32 to index
      %swap3A_186 = arith.constant 112 : index
      %swap3A_187 = tpu.vector_load %arg9[%swap3A_185, %swap3A_186] {strides = array<i32>} : memref<128x128xf32, #tpu.memory_space<vmem>>, vector<1x16xf32>,
      %swap3A_188 = vector.shape_cast %swap3A_187 : vector<1x16xf32> to vector<16xf32>
      %swap3A_189 = vector.shape_cast %broadcast_in_dim3A_1 : vector<16xf32> to vector<1x16xf32>
      tpu.vector_store %arg9[%swap3A_185, %swap3A_186], %swap3A_189 {strides = array<i32>} : memref<128x128xf32, #tpu.memory_space<vmem>>, vector<1x16xf32>,
      %swap3A_190 = arith.index_cast %add3A_150 : i32 to index
      %swap3A_191 = arith.constant 0 : index
      %swap3A_192 = tpu.vector_load %arg11[%swap3A_190, %swap3A_191] {strides = array<i32>} : memref<128x16xf32, #tpu.memory_space<vmem>>, vector<1x16xf32>,
      %swap3A_193 = vector.shape_cast %swap3A_192 : vector<1x16xf32> to vector<16xf32>
      %swap3A_194 = vector.shape_cast %broadcast_in_dim3A_1 : vector<16xf32> to vector<1x16xf32>
      tpu.vector_store %arg11[%swap3A_190, %swap3A_191], %swap3A_194 {strides = array<i32>} : memref<128x16xf32, #tpu.memory_space<vmem>>, vector<1x16xf32>,
    }
    %scan3A_5 = arith.constant 128 : i32
    %mul3A_6 = arith.constant 640 : i32
    %mul3A_7 = arith.muli %arg1, %mul3A_6 : i32
    %add3A_8 = arith.constant 0 : i32
    %add3A_9 = arith.addi %mul3A_7, %add3A_8 : i32
    "tpu.region"() ({
      %run_scoped3A = tpu.sem_alloc : memref<!tpu.dma_semaphore, #tpu.memory_space<semaphore_mem>>
      %dma_start3A_146 = arith.constant 0 : i32
      %dma_start3A_147 = tpu.memref_slice %arg7[%add3A_9, %dma_start3A_146] : memref<10240x128xf32, #tpu.memory_space<vmem_shared>> -> memref<128x128xf32, #tpu.memory_space<vmem_shared>>
      %dma_start3A_148 = arith.constant 0 : i32
      %dma_start3A_149 = tpu.memref_slice %arg7[%add3A_9, %dma_start3A_148] : memref<10240x128xf32, #tpu.memory_space<vmem_shared>> -> memref<128x128xf32, #tpu.memory_space<vmem_shared>>
      tpu.enqueue_dma source(%arg9 : memref<128x128xf32, #tpu.memory_space<vmem>>) target(%dma_start3A_149 : memref<128x128xf32, #tpu.memory_space<vmem_shared>>) target_semaphore(%run_scoped3A : memref<!tpu.dma_semaphore, #tpu.memory_space<semaphore_mem>>)
      %dma_wait3A_150 = arith.constant 0 : i32
      %dma_wait3A_151 = tpu.memref_slice %arg7[%add3A_9, %dma_wait3A_150] : memref<10240x128xf32, #tpu.memory_space<vmem_shared>> -> memref<128x128xf32, #tpu.memory_space<vmem_shared>>
      %dma_wait3A_152 = arith.constant 0 : i32
      %dma_wait3A_153 = tpu.memref_slice %arg7[%add3A_9, %dma_wait3A_152] : memref<10240x128xf32, #tpu.memory_space<vmem_shared>> -> memref<128x128xf32, #tpu.memory_space<vmem_shared>>
      tpu.wait_dma2 semaphore(%run_scoped3A : memref<!tpu.dma_semaphore, #tpu.memory_space<semaphore_mem>>) src(%arg9 : memref<128x128xf32, #tpu.memory_space<vmem>>) dst(%dma_wait3A_153 : memref<128x128xf32, #tpu.memory_space<vmem_shared>>)
      tpu.yield
    }) : () -> ()
    %mul3A_10 = arith.constant 640 : i32
    %mul3A_11 = arith.muli %arg1, %mul3A_10 : i32
    %add3A_12 = arith.constant 0 : i32
    %add3A_13 = arith.addi %mul3A_11, %add3A_12 : i32
    "tpu.region"() ({
      %run_scoped3A = tpu.sem_alloc : memref<!tpu.dma_semaphore, #tpu.memory_space<semaphore_mem>>
      %dma_start3A_146 = arith.constant 0 : i32
      %dma_start3A_147 = tpu.memref_slice %arg8[%add3A_13, %dma_start3A_146] : memref<10240x16xf32, #tpu.memory_space<vmem_shared>> -> memref<128x16xf32, #tpu.memory_space<vmem_shared>>
      %dma_start3A_148 = arith.constant 0 : i32
      %dma_start3A_149 = tpu.memref_slice %arg8[%add3A_13, %dma_start3A_148] : memref<10240x16xf32, #tpu.memory_space<vmem_shared>> -> memref<128x16xf32, #tpu.memory_space<vmem_shared>>
      tpu.enqueue_dma source(%arg11 : memref<128x16xf32, #tpu.memory_space<vmem>>) target(%dma_start3A_149 : memref<128x16xf32, #tpu.memory_space<vmem_shared>>) target_semaphore(%run_scoped3A : memref<!tpu.dma_semaphore, #tpu.memory_space<semaphore_mem>>)
      %dma_wait3A_150 = arith.constant 0 : i32
      %dma_wait3A_151 = tpu.memref_slice %arg8[%add3A_13, %dma_wait3A_150] : memref<10240x16xf32, #tpu.memory_space<vmem_shared>> -> memref<128x16xf32, #tpu.memory_space<vmem_shared>>
      %dma_wait3A_152 = arith.constant 0 : i32
      %dma_wait3A_153 = tpu.memref_slice %arg8[%add3A_13, %dma_wait3A_152] : memref<10240x16xf32, #tpu.memory_space<vmem_shared>> -> memref<128x16xf32, #tpu.memory_space<vmem_shared>>
      tpu.wait_dma2 semaphore(%run_scoped3A : memref<!tpu.dma_semaphore, #tpu.memory_space<semaphore_mem>>) src(%arg11 : memref<128x16xf32, #tpu.memory_space<vmem>>) dst(%dma_wait3A_153 : memref<128x16xf32, #tpu.memory_space<vmem_shared>>)
      tpu.yield
    }) : () -> ()
    %mul3A_14 = arith.constant 640 : i32
    %mul3A_15 = arith.muli %arg1, %mul3A_14 : i32
    %add3A_16 = arith.constant 128 : i32
    %add3A_17 = arith.addi %mul3A_15, %add3A_16 : i32
    "tpu.region"() ({
      %run_scoped3A = tpu.sem_alloc : memref<!tpu.dma_semaphore, #tpu.memory_space<semaphore_mem>>
      %dma_start3A_146 = arith.constant 0 : i32
      %dma_start3A_147 = tpu.memref_slice %arg7[%add3A_17, %dma_start3A_146] : memref<10240x128xf32, #tpu.memory_space<vmem_shared>> -> memref<128x128xf32, #tpu.memory_space<vmem_shared>>
      %dma_start3A_148 = arith.constant 0 : i32
      %dma_start3A_149 = tpu.memref_slice %arg7[%add3A_17, %dma_start3A_148] : memref<10240x128xf32, #tpu.memory_space<vmem_shared>> -> memref<128x128xf32, #tpu.memory_space<vmem_shared>>
      tpu.enqueue_dma source(%arg9 : memref<128x128xf32, #tpu.memory_space<vmem>>) target(%dma_start3A_149 : memref<128x128xf32, #tpu.memory_space<vmem_shared>>) target_semaphore(%run_scoped3A : memref<!tpu.dma_semaphore, #tpu.memory_space<semaphore_mem>>)
      %dma_wait3A_150 = arith.constant 0 : i32
      %dma_wait3A_151 = tpu.memref_slice %arg7[%add3A_17, %dma_wait3A_150] : memref<10240x128xf32, #tpu.memory_space<vmem_shared>> -> memref<128x128xf32, #tpu.memory_space<vmem_shared>>
      %dma_wait3A_152 = arith.constant 0 : i32
      %dma_wait3A_153 = tpu.memref_slice %arg7[%add3A_17, %dma_wait3A_152] : memref<10240x128xf32, #tpu.memory_space<vmem_shared>> -> memref<128x128xf32, #tpu.memory_space<vmem_shared>>
      tpu.wait_dma2 semaphore(%run_scoped3A : memref<!tpu.dma_semaphore, #tpu.memory_space<semaphore_mem>>) src(%arg9 : memref<128x128xf32, #tpu.memory_space<vmem>>) dst(%dma_wait3A_153 : memref<128x128xf32, #tpu.memory_space<vmem_shared>>)
      tpu.yield
    }) : () -> ()
    %mul3A_18 = arith.constant 640 : i32
    %mul3A_19 = arith.muli %arg1, %mul3A_18 : i32
    %add3A_20 = arith.constant 128 : i32
    %add3A_21 = arith.addi %mul3A_19, %add3A_20 : i32
    "tpu.region"() ({
      %run_scoped3A = tpu.sem_alloc : memref<!tpu.dma_semaphore, #tpu.memory_space<semaphore_mem>>
      %dma_start3A_146 = arith.constant 0 : i32
      %dma_start3A_147 = tpu.memref_slice %arg8[%add3A_21, %dma_start3A_146] : memref<10240x16xf32, #tpu.memory_space<vmem_shared>> -> memref<128x16xf32, #tpu.memory_space<vmem_shared>>
      %dma_start3A_148 = arith.constant 0 : i32
      %dma_start3A_149 = tpu.memref_slice %arg8[%add3A_21, %dma_start3A_148] : memref<10240x16xf32, #tpu.memory_space<vmem_shared>> -> memref<128x16xf32, #tpu.memory_space<vmem_shared>>
      tpu.enqueue_dma source(%arg11 : memref<128x16xf32, #tpu.memory_space<vmem>>) target(%dma_start3A_149 : memref<128x16xf32, #tpu.memory_space<vmem_shared>>) target_semaphore(%run_scoped3A : memref<!tpu.dma_semaphore, #tpu.memory_space<semaphore_mem>>)
      %dma_wait3A_150 = arith.constant 0 : i32
      %dma_wait3A_151 = tpu.memref_slice %arg8[%add3A_21, %dma_wait3A_150] : memref<10240x16xf32, #tpu.memory_space<vmem_shared>> -> memref<128x16xf32, #tpu.memory_space<vmem_shared>>
      %dma_wait3A_152 = arith.constant 0 : i32
      %dma_wait3A_153 = tpu.memref_slice %arg8[%add3A_21, %dma_wait3A_152] : memref<10240x16xf32, #tpu.memory_space<vmem_shared>> -> memref<128x16xf32, #tpu.memory_space<vmem_shared>>
      tpu.wait_dma2 semaphore(%run_scoped3A : memref<!tpu.dma_semaphore, #tpu.memory_space<semaphore_mem>>) src(%arg11 : memref<128x16xf32, #tpu.memory_space<vmem>>) dst(%dma_wait3A_153 : memref<128x16xf32, #tpu.memory_space<vmem_shared>>)
      tpu.yield
    }) : () -> ()
    %mul3A_22 = arith.constant 640 : i32
    %mul3A_23 = arith.muli %arg1, %mul3A_22 : i32
    %add3A_24 = arith.constant 256 : i32
    %add3A_25 = arith.addi %mul3A_23, %add3A_24 : i32
    "tpu.region"() ({
      %run_scoped3A = tpu.sem_alloc : memref<!tpu.dma_semaphore, #tpu.memory_space<semaphore_mem>>
      %dma_start3A_146 = arith.constant 0 : i32
      %dma_start3A_147 = tpu.memref_slice %arg7[%add3A_25, %dma_start3A_146] : memref<10240x128xf32, #tpu.memory_space<vmem_shared>> -> memref<128x128xf32, #tpu.memory_space<vmem_shared>>
      %dma_start3A_148 = arith.constant 0 : i32
      %dma_start3A_149 = tpu.memref_slice %arg7[%add3A_25, %dma_start3A_148] : memref<10240x128xf32, #tpu.memory_space<vmem_shared>> -> memref<128x128xf32, #tpu.memory_space<vmem_shared>>
      tpu.enqueue_dma source(%arg9 : memref<128x128xf32, #tpu.memory_space<vmem>>) target(%dma_start3A_149 : memref<128x128xf32, #tpu.memory_space<vmem_shared>>) target_semaphore(%run_scoped3A : memref<!tpu.dma_semaphore, #tpu.memory_space<semaphore_mem>>)
      %dma_wait3A_150 = arith.constant 0 : i32
      %dma_wait3A_151 = tpu.memref_slice %arg7[%add3A_25, %dma_wait3A_150] : memref<10240x128xf32, #tpu.memory_space<vmem_shared>> -> memref<128x128xf32, #tpu.memory_space<vmem_shared>>
      %dma_wait3A_152 = arith.constant 0 : i32
      %dma_wait3A_153 = tpu.memref_slice %arg7[%add3A_25, %dma_wait3A_152] : memref<10240x128xf32, #tpu.memory_space<vmem_shared>> -> memref<128x128xf32, #tpu.memory_space<vmem_shared>>
      tpu.wait_dma2 semaphore(%run_scoped3A : memref<!tpu.dma_semaphore, #tpu.memory_space<semaphore_mem>>) src(%arg9 : memref<128x128xf32, #tpu.memory_space<vmem>>) dst(%dma_wait3A_153 : memref<128x128xf32, #tpu.memory_space<vmem_shared>>)
      tpu.yield
    }) : () -> ()
    %mul3A_26 = arith.constant 640 : i32
    %mul3A_27 = arith.muli %arg1, %mul3A_26 : i32
    %add3A_28 = arith.constant 256 : i32
    %add3A_29 = arith.addi %mul3A_27, %add3A_28 : i32
    "tpu.region"() ({
      %run_scoped3A = tpu.sem_alloc : memref<!tpu.dma_semaphore, #tpu.memory_space<semaphore_mem>>
      %dma_start3A_146 = arith.constant 0 : i32
      %dma_start3A_147 = tpu.memref_slice %arg8[%add3A_29, %dma_start3A_146] : memref<10240x16xf32, #tpu.memory_space<vmem_shared>> -> memref<128x16xf32, #tpu.memory_space<vmem_shared>>
      %dma_start3A_148 = arith.constant 0 : i32
      %dma_start3A_149 = tpu.memref_slice %arg8[%add3A_29, %dma_start3A_148] : memref<10240x16xf32, #tpu.memory_space<vmem_shared>> -> memref<128x16xf32, #tpu.memory_space<vmem_shared>>
      tpu.enqueue_dma source(%arg11 : memref<128x16xf32, #tpu.memory_space<vmem>>) target(%dma_start3A_149 : memref<128x16xf32, #tpu.memory_space<vmem_shared>>) target_semaphore(%run_scoped3A : memref<!tpu.dma_semaphore, #tpu.memory_space<semaphore_mem>>)
      %dma_wait3A_150 = arith.constant 0 : i32
      %dma_wait3A_151 = tpu.memref_slice %arg8[%add3A_29, %dma_wait3A_150] : memref<10240x16xf32, #tpu.memory_space<vmem_shared>> -> memref<128x16xf32, #tpu.memory_space<vmem_shared>>
      %dma_wait3A_152 = arith.constant 0 : i32
      %dma_wait3A_153 = tpu.memref_slice %arg8[%add3A_29, %dma_wait3A_152] : memref<10240x16xf32, #tpu.memory_space<vmem_shared>> -> memref<128x16xf32, #tpu.memory_space<vmem_shared>>
      tpu.wait_dma2 semaphore(%run_scoped3A : memref<!tpu.dma_semaphore, #tpu.memory_space<semaphore_mem>>) src(%arg11 : memref<128x16xf32, #tpu.memory_space<vmem>>) dst(%dma_wait3A_153 : memref<128x16xf32, #tpu.memory_space<vmem_shared>>)
      tpu.yield
    }) : () -> ()
    %mul3A_30 = arith.constant 640 : i32
    %mul3A_31 = arith.muli %arg1, %mul3A_30 : i32
    %add3A_32 = arith.constant 384 : i32
    %add3A_33 = arith.addi %mul3A_31, %add3A_32 : i32
    "tpu.region"() ({
      %run_scoped3A = tpu.sem_alloc : memref<!tpu.dma_semaphore, #tpu.memory_space<semaphore_mem>>
      %dma_start3A_146 = arith.constant 0 : i32
      %dma_start3A_147 = tpu.memref_slice %arg7[%add3A_33, %dma_start3A_146] : memref<10240x128xf32, #tpu.memory_space<vmem_shared>> -> memref<128x128xf32, #tpu.memory_space<vmem_shared>>
      %dma_start3A_148 = arith.constant 0 : i32
      %dma_start3A_149 = tpu.memref_slice %arg7[%add3A_33, %dma_start3A_148] : memref<10240x128xf32, #tpu.memory_space<vmem_shared>> -> memref<128x128xf32, #tpu.memory_space<vmem_shared>>
      tpu.enqueue_dma source(%arg9 : memref<128x128xf32, #tpu.memory_space<vmem>>) target(%dma_start3A_149 : memref<128x128xf32, #tpu.memory_space<vmem_shared>>) target_semaphore(%run_scoped3A : memref<!tpu.dma_semaphore, #tpu.memory_space<semaphore_mem>>)
      %dma_wait3A_150 = arith.constant 0 : i32
      %dma_wait3A_151 = tpu.memref_slice %arg7[%add3A_33, %dma_wait3A_150] : memref<10240x128xf32, #tpu.memory_space<vmem_shared>> -> memref<128x128xf32, #tpu.memory_space<vmem_shared>>
      %dma_wait3A_152 = arith.constant 0 : i32
      %dma_wait3A_153 = tpu.memref_slice %arg7[%add3A_33, %dma_wait3A_152] : memref<10240x128xf32, #tpu.memory_space<vmem_shared>> -> memref<128x128xf32, #tpu.memory_space<vmem_shared>>
      tpu.wait_dma2 semaphore(%run_scoped3A : memref<!tpu.dma_semaphore, #tpu.memory_space<semaphore_mem>>) src(%arg9 : memref<128x128xf32, #tpu.memory_space<vmem>>) dst(%dma_wait3A_153 : memref<128x128xf32, #tpu.memory_space<vmem_shared>>)
      tpu.yield
    }) : () -> ()
    %mul3A_34 = arith.constant 640 : i32
    %mul3A_35 = arith.muli %arg1, %mul3A_34 : i32
    %add3A_36 = arith.constant 384 : i32
    %add3A_37 = arith.addi %mul3A_35, %add3A_36 : i32
    "tpu.region"() ({
      %run_scoped3A = tpu.sem_alloc : memref<!tpu.dma_semaphore, #tpu.memory_space<semaphore_mem>>
      %dma_start3A_146 = arith.constant 0 : i32
      %dma_start3A_147 = tpu.memref_slice %arg8[%add3A_37, %dma_start3A_146] : memref<10240x16xf32, #tpu.memory_space<vmem_shared>> -> memref<128x16xf32, #tpu.memory_space<vmem_shared>>
      %dma_start3A_148 = arith.constant 0 : i32
      %dma_start3A_149 = tpu.memref_slice %arg8[%add3A_37, %dma_start3A_148] : memref<10240x16xf32, #tpu.memory_space<vmem_shared>> -> memref<128x16xf32, #tpu.memory_space<vmem_shared>>
      tpu.enqueue_dma source(%arg11 : memref<128x16xf32, #tpu.memory_space<vmem>>) target(%dma_start3A_149 : memref<128x16xf32, #tpu.memory_space<vmem_shared>>) target_semaphore(%run_scoped3A : memref<!tpu.dma_semaphore, #tpu.memory_space<semaphore_mem>>)
      %dma_wait3A_150 = arith.constant 0 : i32
      %dma_wait3A_151 = tpu.memref_slice %arg8[%add3A_37, %dma_wait3A_150] : memref<10240x16xf32, #tpu.memory_space<vmem_shared>> -> memref<128x16xf32, #tpu.memory_space<vmem_shared>>
      %dma_wait3A_152 = arith.constant 0 : i32
      %dma_wait3A_153 = tpu.memref_slice %arg8[%add3A_37, %dma_wait3A_152] : memref<10240x16xf32, #tpu.memory_space<vmem_shared>> -> memref<128x16xf32, #tpu.memory_space<vmem_shared>>
      tpu.wait_dma2 semaphore(%run_scoped3A : memref<!tpu.dma_semaphore, #tpu.memory_space<semaphore_mem>>) src(%arg11 : memref<128x16xf32, #tpu.memory_space<vmem>>) dst(%dma_wait3A_153 : memref<128x16xf32, #tpu.memory_space<vmem_shared>>)
      tpu.yield
    }) : () -> ()
    %mul3A_38 = arith.constant 640 : i32
    %mul3A_39 = arith.muli %arg1, %mul3A_38 : i32
    %add3A_40 = arith.constant 512 : i32
    %add3A_41 = arith.addi %mul3A_39, %add3A_40 : i32
    "tpu.region"() ({
      %run_scoped3A = tpu.sem_alloc : memref<!tpu.dma_semaphore, #tpu.memory_space<semaphore_mem>>
      %dma_start3A_146 = arith.constant 0 : i32
      %dma_start3A_147 = tpu.memref_slice %arg7[%add3A_41, %dma_start3A_146] : memref<10240x128xf32, #tpu.memory_space<vmem_shared>> -> memref<128x128xf32, #tpu.memory_space<vmem_shared>>
      %dma_start3A_148 = arith.constant 0 : i32
      %dma_start3A_149 = tpu.memref_slice %arg7[%add3A_41, %dma_start3A_148] : memref<10240x128xf32, #tpu.memory_space<vmem_shared>> -> memref<128x128xf32, #tpu.memory_space<vmem_shared>>
      tpu.enqueue_dma source(%arg9 : memref<128x128xf32, #tpu.memory_space<vmem>>) target(%dma_start3A_149 : memref<128x128xf32, #tpu.memory_space<vmem_shared>>) target_semaphore(%run_scoped3A : memref<!tpu.dma_semaphore, #tpu.memory_space<semaphore_mem>>)
      %dma_wait3A_150 = arith.constant 0 : i32
      %dma_wait3A_151 = tpu.memref_slice %arg7[%add3A_41, %dma_wait3A_150] : memref<10240x128xf32, #tpu.memory_space<vmem_shared>> -> memref<128x128xf32, #tpu.memory_space<vmem_shared>>
      %dma_wait3A_152 = arith.constant 0 : i32
      %dma_wait3A_153 = tpu.memref_slice %arg7[%add3A_41, %dma_wait3A_152] : memref<10240x128xf32, #tpu.memory_space<vmem_shared>> -> memref<128x128xf32, #tpu.memory_space<vmem_shared>>
      tpu.wait_dma2 semaphore(%run_scoped3A : memref<!tpu.dma_semaphore, #tpu.memory_space<semaphore_mem>>) src(%arg9 : memref<128x128xf32, #tpu.memory_space<vmem>>) dst(%dma_wait3A_153 : memref<128x128xf32, #tpu.memory_space<vmem_shared>>)
      tpu.yield
    }) : () -> ()
    %mul3A_42 = arith.constant 640 : i32
    %mul3A_43 = arith.muli %arg1, %mul3A_42 : i32
    %add3A_44 = arith.constant 512 : i32
    %add3A_45 = arith.addi %mul3A_43, %add3A_44 : i32
    "tpu.region"() ({
      %run_scoped3A = tpu.sem_alloc : memref<!tpu.dma_semaphore, #tpu.memory_space<semaphore_mem>>
      %dma_start3A_146 = arith.constant 0 : i32
      %dma_start3A_147 = tpu.memref_slice %arg8[%add3A_45, %dma_start3A_146] : memref<10240x16xf32, #tpu.memory_space<vmem_shared>> -> memref<128x16xf32, #tpu.memory_space<vmem_shared>>
      %dma_start3A_148 = arith.constant 0 : i32
      %dma_start3A_149 = tpu.memref_slice %arg8[%add3A_45, %dma_start3A_148] : memref<10240x16xf32, #tpu.memory_space<vmem_shared>> -> memref<128x16xf32, #tpu.memory_space<vmem_shared>>
      tpu.enqueue_dma source(%arg11 : memref<128x16xf32, #tpu.memory_space<vmem>>) target(%dma_start3A_149 : memref<128x16xf32, #tpu.memory_space<vmem_shared>>) target_semaphore(%run_scoped3A : memref<!tpu.dma_semaphore, #tpu.memory_space<semaphore_mem>>)
      %dma_wait3A_150 = arith.constant 0 : i32
      %dma_wait3A_151 = tpu.memref_slice %arg8[%add3A_45, %dma_wait3A_150] : memref<10240x16xf32, #tpu.memory_space<vmem_shared>> -> memref<128x16xf32, #tpu.memory_space<vmem_shared>>
      %dma_wait3A_152 = arith.constant 0 : i32
      %dma_wait3A_153 = tpu.memref_slice %arg8[%add3A_45, %dma_wait3A_152] : memref<10240x16xf32, #tpu.memory_space<vmem_shared>> -> memref<128x16xf32, #tpu.memory_space<vmem_shared>>
      tpu.wait_dma2 semaphore(%run_scoped3A : memref<!tpu.dma_semaphore, #tpu.memory_space<semaphore_mem>>) src(%arg11 : memref<128x16xf32, #tpu.memory_space<vmem>>) dst(%dma_wait3A_153 : memref<128x16xf32, #tpu.memory_space<vmem_shared>>)
      tpu.yield
    }) : () -> ()
    %barrier3A = arith.constant 0 : index
    tpu.barrier barrier_id(%barrier3A)
    %lt3A = arith.constant 4 : i32
    %lt3A_46 = arith.cmpi slt, %add3A, %lt3A : i32
    %jit3A = arith.constant 79 : i32
    %jit3A_47 = arith.constant 78 : i32
    %select_n3A = arith.select %lt3A_46, %jit3A, %jit3A_47 : i32
    %mul3A_48 = arith.constant 78 : i32
    %mul3A_49 = arith.muli %add3A, %mul3A_48 : i32
    %min3A = arith.constant 4 : i32
    %min3A_50 = arith.minsi %add3A, %min3A : i32
    %add3A_51 = arith.addi %mul3A_49, %min3A_50 : i32
    %add3A_52 = arith.constant 0 : i32
    %add3A_53 = arith.addi %add3A_51, %add3A_52 : i32
    %mul3A_54 = arith.constant 128 : i32
    %mul3A_55 = arith.muli %add3A_53, %mul3A_54 : i32
    %dma_start3A = arith.constant 0 : i32
    %dma_start3A_56 = arith.constant 0 : i32
    %dma_start3A_57 = tpu.memref_slice %arg2[%dma_start3A, %dma_start3A_56] : memref<2x320000xi32, #tpu.memory_space<hbm>> -> memref<1x320000xi32, #tpu.memory_space<hbm>>
    %dma_start3A_58 = tpu.memref_squeeze %dma_start3A_57 : memref<1x320000xi32, #tpu.memory_space<hbm>> -> memref<320000xi32, #tpu.memory_space<hbm>>
    %dma_start3A_59 = tpu.memref_slice %dma_start3A_58[%mul3A_55] : memref<320000xi32, #tpu.memory_space<hbm>> -> memref<128xi32, #tpu.memory_space<hbm>>
    %dma_start3A_60 = arith.constant 0 : i32
    %dma_start3A_61 = tpu.memref_slice %arg2[%dma_start3A, %dma_start3A_60] : memref<2x320000xi32, #tpu.memory_space<hbm>> -> memref<1x320000xi32, #tpu.memory_space<hbm>>
    %dma_start3A_62 = tpu.memref_squeeze %dma_start3A_61 : memref<1x320000xi32, #tpu.memory_space<hbm>> -> memref<320000xi32, #tpu.memory_space<hbm>>
    %dma_start3A_63 = tpu.memref_slice %dma_start3A_62[%mul3A_55] : memref<320000xi32, #tpu.memory_space<hbm>> -> memref<128xi32, #tpu.memory_space<hbm>>
    tpu.enqueue_dma source(%dma_start3A_63 : memref<128xi32, #tpu.memory_space<hbm>>) target(%arg13 : memref<128xi32, #tpu.memory_space<vmem>>) target_semaphore(%arg17 : memref<!tpu.dma_semaphore, #tpu.memory_space<semaphore_mem>>)
    %add3A_64 = arith.constant 0 : i32
    %add3A_65 = arith.addi %add3A_51, %add3A_64 : i32
    %mul3A_66 = arith.constant 128 : i32
    %mul3A_67 = arith.muli %add3A_65, %mul3A_66 : i32
    %dma_start3A_68 = arith.constant 1 : i32
    %dma_start3A_69 = arith.constant 0 : i32
    %dma_start3A_70 = tpu.memref_slice %arg2[%dma_start3A_68, %dma_start3A_69] : memref<2x320000xi32, #tpu.memory_space<hbm>> -> memref<1x320000xi32, #tpu.memory_space<hbm>>
    %dma_start3A_71 = tpu.memref_squeeze %dma_start3A_70 : memref<1x320000xi32, #tpu.memory_space<hbm>> -> memref<320000xi32, #tpu.memory_space<hbm>>
    %dma_start3A_72 = tpu.memref_slice %dma_start3A_71[%mul3A_67] : memref<320000xi32, #tpu.memory_space<hbm>> -> memref<128xi32, #tpu.memory_space<hbm>>
    %dma_start3A_73 = arith.constant 0 : i32
    %dma_start3A_74 = tpu.memref_slice %arg2[%dma_start3A_68, %dma_start3A_73] : memref<2x320000xi32, #tpu.memory_space<hbm>> -> memref<1x320000xi32, #tpu.memory_space<hbm>>
    %dma_start3A_75 = tpu.memref_squeeze %dma_start3A_74 : memref<1x320000xi32, #tpu.memory_space<hbm>> -> memref<320000xi32, #tpu.memory_space<hbm>>
    %dma_start3A_76 = tpu.memref_slice %dma_start3A_75[%mul3A_67] : memref<320000xi32, #tpu.memory_space<hbm>> -> memref<128xi32, #tpu.memory_space<hbm>>
    tpu.enqueue_dma source(%dma_start3A_76 : memref<128xi32, #tpu.memory_space<hbm>>) target(%arg15 : memref<128xi32, #tpu.memory_space<vmem>>) target_semaphore(%arg17 : memref<!tpu.dma_semaphore, #tpu.memory_space<semaphore_mem>>)
    %add3A_77 = arith.constant 1 : i32
    %add3A_78 = arith.addi %add3A_51, %add3A_77 : i32
    %mul3A_79 = arith.constant 128 : i32
    %mul3A_80 = arith.muli %add3A_78, %mul3A_79 : i32
    %dma_start3A_81 = arith.constant 0 : i32
    %dma_start3A_82 = arith.constant 0 : i32
    %dma_start3A_83 = tpu.memref_slice %arg2[%dma_start3A_81, %dma_start3A_82] : memref<2x320000xi32, #tpu.memory_space<hbm>> -> memref<1x320000xi32, #tpu.memory_space<hbm>>
    %dma_start3A_84 = tpu.memref_squeeze %dma_start3A_83 : memref<1x320000xi32, #tpu.memory_space<hbm>> -> memref<320000xi32, #tpu.memory_space<hbm>>
    %dma_start3A_85 = tpu.memref_slice %dma_start3A_84[%mul3A_80] : memref<320000xi32, #tpu.memory_space<hbm>> -> memref<128xi32, #tpu.memory_space<hbm>>
    %dma_start3A_86 = arith.constant 0 : i32
    %dma_start3A_87 = tpu.memref_slice %arg2[%dma_start3A_81, %dma_start3A_86] : memref<2x320000xi32, #tpu.memory_space<hbm>> -> memref<1x320000xi32, #tpu.memory_space<hbm>>
    %dma_start3A_88 = tpu.memref_squeeze %dma_start3A_87 : memref<1x320000xi32, #tpu.memory_space<hbm>> -> memref<320000xi32, #tpu.memory_space<hbm>>
    %dma_start3A_89 = tpu.memref_slice %dma_start3A_88[%mul3A_80] : memref<320000xi32, #tpu.memory_space<hbm>> -> memref<128xi32, #tpu.memory_space<hbm>>
    tpu.enqueue_dma source(%dma_start3A_89 : memref<128xi32, #tpu.memory_space<hbm>>) target(%arg14 : memref<128xi32, #tpu.memory_space<vmem>>) target_semaphore(%arg18 : memref<!tpu.dma_semaphore, #tpu.memory_space<semaphore_mem>>)
    %add3A_90 = arith.constant 1 : i32
    %add3A_91 = arith.addi %add3A_51, %add3A_90 : i32
    %mul3A_92 = arith.constant 128 : i32
    %mul3A_93 = arith.muli %add3A_91, %mul3A_92 : i32
    %dma_start3A_94 = arith.constant 1 : i32
    %dma_start3A_95 = arith.constant 0 : i32
    %dma_start3A_96 = tpu.memref_slice %arg2[%dma_start3A_94, %dma_start3A_95] : memref<2x320000xi32, #tpu.memory_space<hbm>> -> memref<1x320000xi32, #tpu.memory_space<hbm>>
    %dma_start3A_97 = tpu.memref_squeeze %dma_start3A_96 : memref<1x320000xi32, #tpu.memory_space<hbm>> -> memref<320000xi32, #tpu.memory_space<hbm>>
    %dma_start3A_98 = tpu.memref_slice %dma_start3A_97[%mul3A_93] : memref<320000xi32, #tpu.memory_space<hbm>> -> memref<128xi32, #tpu.memory_space<hbm>>
    %dma_start3A_99 = arith.constant 0 : i32
    %dma_start3A_100 = tpu.memref_slice %arg2[%dma_start3A_94, %dma_start3A_99] : memref<2x320000xi32, #tpu.memory_space<hbm>> -> memref<1x320000xi32, #tpu.memory_space<hbm>>
    %dma_start3A_101 = tpu.memref_squeeze %dma_start3A_100 : memref<1x320000xi32, #tpu.memory_space<hbm>> -> memref<320000xi32, #tpu.memory_space<hbm>>
    %dma_start3A_102 = tpu.memref_slice %dma_start3A_101[%mul3A_93] : memref<320000xi32, #tpu.memory_space<hbm>> -> memref<128xi32, #tpu.memory_space<hbm>>
    tpu.enqueue_dma source(%dma_start3A_102 : memref<128xi32, #tpu.memory_space<hbm>>) target(%arg16 : memref<128xi32, #tpu.memory_space<vmem>>) target_semaphore(%arg18 : memref<!tpu.dma_semaphore, #tpu.memory_space<semaphore_mem>>)
    %dma_wait3A = arith.constant 0 : i32
    %dma_wait3A_103 = arith.constant 0 : i32
    %dma_wait3A_104 = tpu.memref_slice %arg2[%dma_wait3A, %dma_wait3A_103] : memref<2x320000xi32, #tpu.memory_space<hbm>> -> memref<1x320000xi32, #tpu.memory_space<hbm>>
    %dma_wait3A_105 = tpu.memref_squeeze %dma_wait3A_104 : memref<1x320000xi32, #tpu.memory_space<hbm>> -> memref<320000xi32, #tpu.memory_space<hbm>>
    %dma_wait3A_106 = arith.constant 0 : i32
    %dma_wait3A_107 = tpu.memref_slice %dma_wait3A_105[%dma_wait3A_106] : memref<320000xi32, #tpu.memory_space<hbm>> -> memref<128xi32, #tpu.memory_space<hbm>>
    %dma_wait3A_108 = arith.constant 0 : i32
    %dma_wait3A_109 = tpu.memref_slice %arg2[%dma_wait3A, %dma_wait3A_108] : memref<2x320000xi32, #tpu.memory_space<hbm>> -> memref<1x320000xi32, #tpu.memory_space<hbm>>
    %dma_wait3A_110 = tpu.memref_squeeze %dma_wait3A_109 : memref<1x320000xi32, #tpu.memory_space<hbm>> -> memref<320000xi32, #tpu.memory_space<hbm>>
    %dma_wait3A_111 = arith.constant 0 : i32
    %dma_wait3A_112 = tpu.memref_slice %dma_wait3A_110[%dma_wait3A_111] : memref<320000xi32, #tpu.memory_space<hbm>> -> memref<128xi32, #tpu.memory_space<hbm>>
    tpu.wait_dma2 semaphore(%arg17 : memref<!tpu.dma_semaphore, #tpu.memory_space<semaphore_mem>>) src(%dma_wait3A_112 : memref<128xi32, #tpu.memory_space<hbm>>) dst(%arg13 : memref<128xi32, #tpu.memory_space<vmem>>)
    %dma_wait3A_113 = arith.constant 0 : i32
    %dma_wait3A_114 = arith.constant 0 : i32
    %dma_wait3A_115 = tpu.memref_slice %arg2[%dma_wait3A_113, %dma_wait3A_114] : memref<2x320000xi32, #tpu.memory_space<hbm>> -> memref<1x320000xi32, #tpu.memory_space<hbm>>
    %dma_wait3A_116 = tpu.memref_squeeze %dma_wait3A_115 : memref<1x320000xi32, #tpu.memory_space<hbm>> -> memref<320000xi32, #tpu.memory_space<hbm>>
    %dma_wait3A_117 = arith.constant 0 : i32
    %dma_wait3A_118 = tpu.memref_slice %dma_wait3A_116[%dma_wait3A_117] : memref<320000xi32, #tpu.memory_space<hbm>> -> memref<128xi32, #tpu.memory_space<hbm>>
    %dma_wait3A_119 = arith.constant 0 : i32
    %dma_wait3A_120 = tpu.memref_slice %arg2[%dma_wait3A_113, %dma_wait3A_119] : memref<2x320000xi32, #tpu.memory_space<hbm>> -> memref<1x320000xi32, #tpu.memory_space<hbm>>
    %dma_wait3A_121 = tpu.memref_squeeze %dma_wait3A_120 : memref<1x320000xi32, #tpu.memory_space<hbm>> -> memref<320000xi32, #tpu.memory_space<hbm>>
    %dma_wait3A_122 = arith.constant 0 : i32
    %dma_wait3A_123 = tpu.memref_slice %dma_wait3A_121[%dma_wait3A_122] : memref<320000xi32, #tpu.memory_space<hbm>> -> memref<128xi32, #tpu.memory_space<hbm>>
    tpu.wait_dma2 semaphore(%arg17 : memref<!tpu.dma_semaphore, #tpu.memory_space<semaphore_mem>>) src(%dma_wait3A_123 : memref<128xi32, #tpu.memory_space<hbm>>) dst(%arg15 : memref<128xi32, #tpu.memory_space<vmem>>)
    %dma_start3A_124 = arith.constant 0 : i32
    %dma_start3A_125 = arith.constant 0 : i32
    %dma_start3A_126 = tpu.memref_slice %arg3[%dma_start3A_124, %dma_start3A_125] : memref<10240x128xf32, #tpu.memory_space<hbm>> -> memref<10240x128xf32, #tpu.memory_space<hbm>>
    tpu.enqueue_indirect_dma source(%dma_start3A_126 : memref<10240x128xf32, #tpu.memory_space<hbm>>) target(%arg9 : memref<128x128xf32, #tpu.memory_space<vmem>>) offsets(%arg13 : memref<128xi32, #tpu.memory_space<vmem>>) semaphore(%arg19 : memref<!tpu.dma_semaphore, #tpu.memory_space<semaphore_mem>>)
    %dma_start3A_127 = arith.constant 0 : i32
    %dma_start3A_128 = arith.constant 0 : i32
    %dma_start3A_129 = tpu.memref_slice %arg4[%dma_start3A_127, %dma_start3A_128] : memref<10240x16xf32, #tpu.memory_space<hbm>> -> memref<10240x16xf32, #tpu.memory_space<hbm>>
    tpu.enqueue_indirect_dma source(%dma_start3A_129 : memref<10240x16xf32, #tpu.memory_space<hbm>>) target(%arg11 : memref<128x16xf32, #tpu.memory_space<vmem>>) offsets(%arg15 : memref<128xi32, #tpu.memory_space<vmem>>) semaphore(%arg21 : memref<!tpu.dma_semaphore, #tpu.memory_space<semaphore_mem>>)
    %scan3A_130 = arith.constant 0 : i32
    %scan3A_131 = arith.constant 1 : i32
    %scan3A_132 = arith.constant 0 : i32
    %scan3A_133 = arith.constant 40 : i32
    %scan3A_134 = arith.addi %scan3A_132, %scan3A_133 : i32
    %scan3A_135 = arith.constant 1 : i32
    scf.for %scan3A_146 = %scan3A_132 to %scan3A_134 step %scan3A_135  : i32 {
      %mul3A_147 = arith.constant 1 : i32
      %mul3A_148 = arith.muli %scan3A_146, %mul3A_147 : i32
      %add3A_149 = arith.constant 0 : i32
      %add3A_150 = arith.addi %add3A_149, %mul3A_148 : i32
      %mul3A_151 = arith.constant 2 : i32
      %mul3A_152 = arith.muli %add3A_150, %mul3A_151 : i32
      %add3A_153 = arith.constant 0 : i32
      %add3A_154 = arith.addi %mul3A_152, %add3A_153 : i32
      %lt3A_155 = arith.cmpi slt, %add3A_154, %select_n3A : i32
      %convert_element_type3A = arith.extui %lt3A_155 : i1 to i32
      %cond3A = arith.constant 0 : i32
      %cond3A_156 = arith.cmpi ne, %convert_element_type3A, %cond3A : i32
      scf.if %cond3A_156 {
        %sub3A = arith.constant 1 : i32
        %sub3A_163 = arith.subi %select_n3A, %sub3A : i32
        %lt3A_164 = arith.cmpi slt, %add3A_154, %sub3A_163 : i32
        %convert_element_type3A_165 = arith.extui %lt3A_164 : i1 to i32
        %cond3A_166 = arith.constant 0 : i32
        %cond3A_167 = arith.cmpi ne, %convert_element_type3A_165, %cond3A_166 : i32
        scf.if %cond3A_167 {
          %dma_wait3A_180 = arith.constant 0 : i32
          %dma_wait3A_181 = tpu.memref_slice %arg2[%scan3A_130, %dma_wait3A_180] : memref<2x320000xi32, #tpu.memory_space<hbm>> -> memref<1x320000xi32, #tpu.memory_space<hbm>>
          %dma_wait3A_182 = tpu.memref_squeeze %dma_wait3A_181 : memref<1x320000xi32, #tpu.memory_space<hbm>> -> memref<320000xi32, #tpu.memory_space<hbm>>
          %dma_wait3A_183 = arith.constant 0 : i32
          %dma_wait3A_184 = tpu.memref_slice %dma_wait3A_182[%dma_wait3A_183] : memref<320000xi32, #tpu.memory_space<hbm>> -> memref<128xi32, #tpu.memory_space<hbm>>
          %dma_wait3A_185 = arith.constant 0 : i32
          %dma_wait3A_186 = tpu.memref_slice %arg2[%scan3A_130, %dma_wait3A_185] : memref<2x320000xi32, #tpu.memory_space<hbm>> -> memref<1x320000xi32, #tpu.memory_space<hbm>>
          %dma_wait3A_187 = tpu.memref_squeeze %dma_wait3A_186 : memref<1x320000xi32, #tpu.memory_space<hbm>> -> memref<320000xi32, #tpu.memory_space<hbm>>
          %dma_wait3A_188 = arith.constant 0 : i32
          %dma_wait3A_189 = tpu.memref_slice %dma_wait3A_187[%dma_wait3A_188] : memref<320000xi32, #tpu.memory_space<hbm>> -> memref<128xi32, #tpu.memory_space<hbm>>
          tpu.wait_dma2 semaphore(%arg18 : memref<!tpu.dma_semaphore, #tpu.memory_space<semaphore_mem>>) src(%dma_wait3A_189 : memref<128xi32, #tpu.memory_space<hbm>>) dst(%arg14 : memref<128xi32, #tpu.memory_space<vmem>>)
          %dma_wait3A_190 = arith.constant 0 : i32
          %dma_wait3A_191 = tpu.memref_slice %arg2[%scan3A_130, %dma_wait3A_190] : memref<2x320000xi32, #tpu.memory_space<hbm>> -> memref<1x320000xi32, #tpu.memory_space<hbm>>
          %dma_wait3A_192 = tpu.memref_squeeze %dma_wait3A_191 : memref<1x320000xi32, #tpu.memory_space<hbm>> -> memref<320000xi32, #tpu.memory_space<hbm>>
          %dma_wait3A_193 = arith.constant 0 : i32
          %dma_wait3A_194 = tpu.memref_slice %dma_wait3A_192[%dma_wait3A_193] : memref<320000xi32, #tpu.memory_space<hbm>> -> memref<128xi32, #tpu.memory_space<hbm>>
          %dma_wait3A_195 = arith.constant 0 : i32
          %dma_wait3A_196 = tpu.memref_slice %arg2[%scan3A_130, %dma_wait3A_195] : memref<2x320000xi32, #tpu.memory_space<hbm>> -> memref<1x320000xi32, #tpu.memory_space<hbm>>
          %dma_wait3A_197 = tpu.memref_squeeze %dma_wait3A_196 : memref<1x320000xi32, #tpu.memory_space<hbm>> -> memref<320000xi32, #tpu.memory_space<hbm>>
          %dma_wait3A_198 = arith.constant 0 : i32
          %dma_wait3A_199 = tpu.memref_slice %dma_wait3A_197[%dma_wait3A_198] : memref<320000xi32, #tpu.memory_space<hbm>> -> memref<128xi32, #tpu.memory_space<hbm>>
          tpu.wait_dma2 semaphore(%arg18 : memref<!tpu.dma_semaphore, #tpu.memory_space<semaphore_mem>>) src(%dma_wait3A_199 : memref<128xi32, #tpu.memory_space<hbm>>) dst(%arg16 : memref<128xi32, #tpu.memory_space<vmem>>)
          %dma_start3A_200 = arith.constant 0 : i32
          %dma_start3A_201 = arith.constant 0 : i32
          %dma_start3A_202 = tpu.memref_slice %arg3[%dma_start3A_200, %dma_start3A_201] : memref<10240x128xf32, #tpu.memory_space<hbm>> -> memref<10240x128xf32, #tpu.memory_space<hbm>>
          tpu.enqueue_indirect_dma source(%dma_start3A_202 : memref<10240x128xf32, #tpu.memory_space<hbm>>) target(%arg10 : memref<128x128xf32, #tpu.memory_space<vmem>>) offsets(%arg14 : memref<128xi32, #tpu.memory_space<vmem>>) semaphore(%arg20 : memref<!tpu.dma_semaphore, #tpu.memory_space<semaphore_mem>>)
          %dma_start3A_203 = arith.constant 0 : i32
          %dma_start3A_204 = arith.constant 0 : i32
          %dma_start3A_205 = tpu.memref_slice %arg4[%dma_start3A_203, %dma_start3A_204] : memref<10240x16xf32, #tpu.memory_space<hbm>> -> memref<10240x16xf32, #tpu.memory_space<hbm>>
          tpu.enqueue_indirect_dma source(%dma_start3A_205 : memref<10240x16xf32, #tpu.memory_space<hbm>>) target(%arg12 : memref<128x16xf32, #tpu.memory_space<vmem>>) offsets(%arg16 : memref<128xi32, #tpu.memory_space<vmem>>) semaphore(%arg22 : memref<!tpu.dma_semaphore, #tpu.memory_space<semaphore_mem>>)
        } else {
        }
        %dma_wait3A_168 = arith.constant 0 : i32
        %dma_wait3A_169 = arith.constant 0 : i32
        %dma_wait3A_170 = tpu.memref_slice %arg3[%dma_wait3A_168, %dma_wait3A_169] : memref<10240x128xf32, #tpu.memory_space<hbm>> -> memref<10240x128xf32, #tpu.memory_space<hbm>>
        tpu.wait_indirect_dma semaphore(%arg19 : memref<!tpu.dma_semaphore, #tpu.memory_space<semaphore_mem>>) src(%dma_wait3A_170 : memref<10240x128xf32, #tpu.memory_space<hbm>>) dst(%arg9 : memref<128x128xf32, #tpu.memory_space<vmem>>)
        "tpu.region"() ({
          %run_scoped3A = tpu.sem_alloc : memref<!tpu.dma_semaphore, #tpu.memory_space<semaphore_mem>>
          %dma_start3A_180 = arith.constant 0 : i32
          %dma_start3A_181 = arith.constant 0 : i32
          %dma_start3A_182 = tpu.memref_slice %arg7[%dma_start3A_180, %dma_start3A_181] : memref<10240x128xf32, #tpu.memory_space<vmem_shared>> -> memref<10240x128xf32, #tpu.memory_space<vmem_shared>>
          tpu.enqueue_indirect_dma source(%arg9 : memref<128x128xf32, #tpu.memory_space<vmem>>) target(%dma_start3A_182 : memref<10240x128xf32, #tpu.memory_space<vmem_shared>>) offsets(%arg15 : memref<128xi32, #tpu.memory_space<vmem>>) semaphore(%run_scoped3A : memref<!tpu.dma_semaphore, #tpu.memory_space<semaphore_mem>>) {add = true}
          %dma_wait3A_183 = arith.constant 0 : i32
          %dma_wait3A_184 = arith.constant 0 : i32
          %dma_wait3A_185 = tpu.memref_slice %arg7[%dma_wait3A_183, %dma_wait3A_184] : memref<10240x128xf32, #tpu.memory_space<vmem_shared>> -> memref<10240x128xf32, #tpu.memory_space<vmem_shared>>
          tpu.wait_indirect_dma semaphore(%run_scoped3A : memref<!tpu.dma_semaphore, #tpu.memory_space<semaphore_mem>>) src(%arg9 : memref<128x128xf32, #tpu.memory_space<vmem>>) dst(%dma_wait3A_185 : memref<10240x128xf32, #tpu.memory_space<vmem_shared>>)
          tpu.yield
        }) : () -> ()
        %dma_wait3A_171 = arith.constant 0 : i32
        %dma_wait3A_172 = arith.constant 0 : i32
        %dma_wait3A_173 = tpu.memref_slice %arg4[%dma_wait3A_171, %dma_wait3A_172] : memref<10240x16xf32, #tpu.memory_space<hbm>> -> memref<10240x16xf32, #tpu.memory_space<hbm>>
        tpu.wait_indirect_dma semaphore(%arg21 : memref<!tpu.dma_semaphore, #tpu.memory_space<semaphore_mem>>) src(%dma_wait3A_173 : memref<10240x16xf32, #tpu.memory_space<hbm>>) dst(%arg11 : memref<128x16xf32, #tpu.memory_space<vmem>>)
        "tpu.region"() ({
          %run_scoped3A = tpu.sem_alloc : memref<!tpu.dma_semaphore, #tpu.memory_space<semaphore_mem>>
          %dma_start3A_180 = arith.constant 0 : i32
          %dma_start3A_181 = arith.constant 0 : i32
          %dma_start3A_182 = tpu.memref_slice %arg8[%dma_start3A_180, %dma_start3A_181] : memref<10240x16xf32, #tpu.memory_space<vmem_shared>> -> memref<10240x16xf32, #tpu.memory_space<vmem_shared>>
          tpu.enqueue_indirect_dma source(%arg11 : memref<128x16xf32, #tpu.memory_space<vmem>>) target(%dma_start3A_182 : memref<10240x16xf32, #tpu.memory_space<vmem_shared>>) offsets(%arg13 : memref<128xi32, #tpu.memory_space<vmem>>) semaphore(%run_scoped3A : memref<!tpu.dma_semaphore, #tpu.memory_space<semaphore_mem>>) {add = true}
          %dma_wait3A_183 = arith.constant 0 : i32
          %dma_wait3A_184 = arith.constant 0 : i32
          %dma_wait3A_185 = tpu.memref_slice %arg8[%dma_wait3A_183, %dma_wait3A_184] : memref<10240x16xf32, #tpu.memory_space<vmem_shared>> -> memref<10240x16xf32, #tpu.memory_space<vmem_shared>>
          tpu.wait_indirect_dma semaphore(%run_scoped3A : memref<!tpu.dma_semaphore, #tpu.memory_space<semaphore_mem>>) src(%arg11 : memref<128x16xf32, #tpu.memory_space<vmem>>) dst(%dma_wait3A_185 : memref<10240x16xf32, #tpu.memory_space<vmem_shared>>)
          tpu.yield
        }) : () -> ()
        %sub3A_174 = arith.constant 2 : i32
        %sub3A_175 = arith.subi %select_n3A, %sub3A_174 : i32
        %lt3A_176 = arith.cmpi slt, %add3A_154, %sub3A_175 : i32
        %convert_element_type3A_177 = arith.extui %lt3A_176 : i1 to i32
        %cond3A_178 = arith.constant 0 : i32
        %cond3A_179 = arith.cmpi ne, %convert_element_type3A_177, %cond3A_178 : i32
        scf.if %cond3A_179 {
          %add3A_180 = arith.constant 2 : i32
          %add3A_181 = arith.addi %add3A_154, %add3A_180 : i32
          %add3A_182 = arith.addi %add3A_51, %add3A_181 : i32
          %mul3A_183 = arith.constant 128 : i32
          %mul3A_184 = arith.muli %add3A_182, %mul3A_183 : i32
          %dma_start3A_185 = arith.constant 0 : i32
          %dma_start3A_186 = tpu.memref_slice %arg2[%scan3A_130, %dma_start3A_185] : memref<2x320000xi32, #tpu.memory_space<hbm>> -> memref<1x320000xi32, #tpu.memory_space<hbm>>
          %dma_start3A_187 = tpu.memref_squeeze %dma_start3A_186 : memref<1x320000xi32, #tpu.memory_space<hbm>> -> memref<320000xi32, #tpu.memory_space<hbm>>
          %dma_start3A_188 = tpu.memref_slice %dma_start3A_187[%mul3A_184] : memref<320000xi32, #tpu.memory_space<hbm>> -> memref<128xi32, #tpu.memory_space<hbm>>
          %dma_start3A_189 = arith.constant 0 : i32
          %dma_start3A_190 = tpu.memref_slice %arg2[%scan3A_130, %dma_start3A_189] : memref<2x320000xi32, #tpu.memory_space<hbm>> -> memref<1x320000xi32, #tpu.memory_space<hbm>>
          %dma_start3A_191 = tpu.memref_squeeze %dma_start3A_190 : memref<1x320000xi32, #tpu.memory_space<hbm>> -> memref<320000xi32, #tpu.memory_space<hbm>>
          %dma_start3A_192 = tpu.memref_slice %dma_start3A_191[%mul3A_184] : memref<320000xi32, #tpu.memory_space<hbm>> -> memref<128xi32, #tpu.memory_space<hbm>>
          tpu.enqueue_dma source(%dma_start3A_192 : memref<128xi32, #tpu.memory_space<hbm>>) target(%arg13 : memref<128xi32, #tpu.memory_space<vmem>>) target_semaphore(%arg17 : memref<!tpu.dma_semaphore, #tpu.memory_space<semaphore_mem>>)
          %add3A_193 = arith.addi %add3A_51, %add3A_181 : i32
          %mul3A_194 = arith.constant 128 : i32
          %mul3A_195 = arith.muli %add3A_193, %mul3A_194 : i32
          %dma_start3A_196 = arith.constant 0 : i32
          %dma_start3A_197 = tpu.memref_slice %arg2[%scan3A_131, %dma_start3A_196] : memref<2x320000xi32, #tpu.memory_space<hbm>> -> memref<1x320000xi32, #tpu.memory_space<hbm>>
          %dma_start3A_198 = tpu.memref_squeeze %dma_start3A_197 : memref<1x320000xi32, #tpu.memory_space<hbm>> -> memref<320000xi32, #tpu.memory_space<hbm>>
          %dma_start3A_199 = tpu.memref_slice %dma_start3A_198[%mul3A_195] : memref<320000xi32, #tpu.memory_space<hbm>> -> memref<128xi32, #tpu.memory_space<hbm>>
          %dma_start3A_200 = arith.constant 0 : i32
          %dma_start3A_201 = tpu.memref_slice %arg2[%scan3A_131, %dma_start3A_200] : memref<2x320000xi32, #tpu.memory_space<hbm>> -> memref<1x320000xi32, #tpu.memory_space<hbm>>
          %dma_start3A_202 = tpu.memref_squeeze %dma_start3A_201 : memref<1x320000xi32, #tpu.memory_space<hbm>> -> memref<320000xi32, #tpu.memory_space<hbm>>
          %dma_start3A_203 = tpu.memref_slice %dma_start3A_202[%mul3A_195] : memref<320000xi32, #tpu.memory_space<hbm>> -> memref<128xi32, #tpu.memory_space<hbm>>
          tpu.enqueue_dma source(%dma_start3A_203 : memref<128xi32, #tpu.memory_space<hbm>>) target(%arg15 : memref<128xi32, #tpu.memory_space<vmem>>) target_semaphore(%arg17 : memref<!tpu.dma_semaphore, #tpu.memory_space<semaphore_mem>>)
        } else {
        }
      } else {
      }
      %add3A_157 = arith.constant 1 : i32
      %add3A_158 = arith.addi %mul3A_152, %add3A_157 : i32
      %lt3A_159 = arith.cmpi slt, %add3A_158, %select_n3A : i32
      %convert_element_type3A_160 = arith.extui %lt3A_159 : i1 to i32
      %cond3A_161 = arith.constant 0 : i32
      %cond3A_162 = arith.cmpi ne, %convert_element_type3A_160, %cond3A_161 : i32
      scf.if %cond3A_162 {
        %sub3A = arith.constant 1 : i32
        %sub3A_163 = arith.subi %select_n3A, %sub3A : i32
        %lt3A_164 = arith.cmpi slt, %add3A_158, %sub3A_163 : i32
        %convert_element_type3A_165 = arith.extui %lt3A_164 : i1 to i32
        %cond3A_166 = arith.constant 0 : i32
        %cond3A_167 = arith.cmpi ne, %convert_element_type3A_165, %cond3A_166 : i32
        scf.if %cond3A_167 {
          %dma_wait3A_180 = arith.constant 0 : i32
          %dma_wait3A_181 = tpu.memref_slice %arg2[%scan3A_130, %dma_wait3A_180] : memref<2x320000xi32, #tpu.memory_space<hbm>> -> memref<1x320000xi32, #tpu.memory_space<hbm>>
          %dma_wait3A_182 = tpu.memref_squeeze %dma_wait3A_181 : memref<1x320000xi32, #tpu.memory_space<hbm>> -> memref<320000xi32, #tpu.memory_space<hbm>>
          %dma_wait3A_183 = arith.constant 0 : i32
          %dma_wait3A_184 = tpu.memref_slice %dma_wait3A_182[%dma_wait3A_183] : memref<320000xi32, #tpu.memory_space<hbm>> -> memref<128xi32, #tpu.memory_space<hbm>>
          %dma_wait3A_185 = arith.constant 0 : i32
          %dma_wait3A_186 = tpu.memref_slice %arg2[%scan3A_130, %dma_wait3A_185] : memref<2x320000xi32, #tpu.memory_space<hbm>> -> memref<1x320000xi32, #tpu.memory_space<hbm>>
          %dma_wait3A_187 = tpu.memref_squeeze %dma_wait3A_186 : memref<1x320000xi32, #tpu.memory_space<hbm>> -> memref<320000xi32, #tpu.memory_space<hbm>>
          %dma_wait3A_188 = arith.constant 0 : i32
          %dma_wait3A_189 = tpu.memref_slice %dma_wait3A_187[%dma_wait3A_188] : memref<320000xi32, #tpu.memory_space<hbm>> -> memref<128xi32, #tpu.memory_space<hbm>>
          tpu.wait_dma2 semaphore(%arg17 : memref<!tpu.dma_semaphore, #tpu.memory_space<semaphore_mem>>) src(%dma_wait3A_189 : memref<128xi32, #tpu.memory_space<hbm>>) dst(%arg13 : memref<128xi32, #tpu.memory_space<vmem>>)
          %dma_wait3A_190 = arith.constant 0 : i32
          %dma_wait3A_191 = tpu.memref_slice %arg2[%scan3A_130, %dma_wait3A_190] : memref<2x320000xi32, #tpu.memory_space<hbm>> -> memref<1x320000xi32, #tpu.memory_space<hbm>>
          %dma_wait3A_192 = tpu.memref_squeeze %dma_wait3A_191 : memref<1x320000xi32, #tpu.memory_space<hbm>> -> memref<320000xi32, #tpu.memory_space<hbm>>
          %dma_wait3A_193 = arith.constant 0 : i32
          %dma_wait3A_194 = tpu.memref_slice %dma_wait3A_192[%dma_wait3A_193] : memref<320000xi32, #tpu.memory_space<hbm>> -> memref<128xi32, #tpu.memory_space<hbm>>
          %dma_wait3A_195 = arith.constant 0 : i32
          %dma_wait3A_196 = tpu.memref_slice %arg2[%scan3A_130, %dma_wait3A_195] : memref<2x320000xi32, #tpu.memory_space<hbm>> -> memref<1x320000xi32, #tpu.memory_space<hbm>>
          %dma_wait3A_197 = tpu.memref_squeeze %dma_wait3A_196 : memref<1x320000xi32, #tpu.memory_space<hbm>> -> memref<320000xi32, #tpu.memory_space<hbm>>
          %dma_wait3A_198 = arith.constant 0 : i32
          %dma_wait3A_199 = tpu.memref_slice %dma_wait3A_197[%dma_wait3A_198] : memref<320000xi32, #tpu.memory_space<hbm>> -> memref<128xi32, #tpu.memory_space<hbm>>
          tpu.wait_dma2 semaphore(%arg17 : memref<!tpu.dma_semaphore, #tpu.memory_space<semaphore_mem>>) src(%dma_wait3A_199 : memref<128xi32, #tpu.memory_space<hbm>>) dst(%arg15 : memref<128xi32, #tpu.memory_space<vmem>>)
          %dma_start3A_200 = arith.constant 0 : i32
          %dma_start3A_201 = arith.constant 0 : i32
          %dma_start3A_202 = tpu.memref_slice %arg3[%dma_start3A_200, %dma_start3A_201] : memref<10240x128xf32, #tpu.memory_space<hbm>> -> memref<10240x128xf32, #tpu.memory_space<hbm>>
          tpu.enqueue_indirect_dma source(%dma_start3A_202 : memref<10240x128xf32, #tpu.memory_space<hbm>>) target(%arg9 : memref<128x128xf32, #tpu.memory_space<vmem>>) offsets(%arg13 : memref<128xi32, #tpu.memory_space<vmem>>) semaphore(%arg19 : memref<!tpu.dma_semaphore, #tpu.memory_space<semaphore_mem>>)
          %dma_start3A_203 = arith.constant 0 : i32
          %dma_start3A_204 = arith.constant 0 : i32
          %dma_start3A_205 = tpu.memref_slice %arg4[%dma_start3A_203, %dma_start3A_204] : memref<10240x16xf32, #tpu.memory_space<hbm>> -> memref<10240x16xf32, #tpu.memory_space<hbm>>
          tpu.enqueue_indirect_dma source(%dma_start3A_205 : memref<10240x16xf32, #tpu.memory_space<hbm>>) target(%arg11 : memref<128x16xf32, #tpu.memory_space<vmem>>) offsets(%arg15 : memref<128xi32, #tpu.memory_space<vmem>>) semaphore(%arg21 : memref<!tpu.dma_semaphore, #tpu.memory_space<semaphore_mem>>)
        } else {
        }
        %dma_wait3A_168 = arith.constant 0 : i32
        %dma_wait3A_169 = arith.constant 0 : i32
        %dma_wait3A_170 = tpu.memref_slice %arg3[%dma_wait3A_168, %dma_wait3A_169] : memref<10240x128xf32, #tpu.memory_space<hbm>> -> memref<10240x128xf32, #tpu.memory_space<hbm>>
        tpu.wait_indirect_dma semaphore(%arg20 : memref<!tpu.dma_semaphore, #tpu.memory_space<semaphore_mem>>) src(%dma_wait3A_170 : memref<10240x128xf32, #tpu.memory_space<hbm>>) dst(%arg10 : memref<128x128xf32, #tpu.memory_space<vmem>>)
        "tpu.region"() ({
          %run_scoped3A = tpu.sem_alloc : memref<!tpu.dma_semaphore, #tpu.memory_space<semaphore_mem>>
          %dma_start3A_180 = arith.constant 0 : i32
          %dma_start3A_181 = arith.constant 0 : i32
          %dma_start3A_182 = tpu.memref_slice %arg7[%dma_start3A_180, %dma_start3A_181] : memref<10240x128xf32, #tpu.memory_space<vmem_shared>> -> memref<10240x128xf32, #tpu.memory_space<vmem_shared>>
          tpu.enqueue_indirect_dma source(%arg10 : memref<128x128xf32, #tpu.memory_space<vmem>>) target(%dma_start3A_182 : memref<10240x128xf32, #tpu.memory_space<vmem_shared>>) offsets(%arg16 : memref<128xi32, #tpu.memory_space<vmem>>) semaphore(%run_scoped3A : memref<!tpu.dma_semaphore, #tpu.memory_space<semaphore_mem>>) {add = true}
          %dma_wait3A_183 = arith.constant 0 : i32
          %dma_wait3A_184 = arith.constant 0 : i32
          %dma_wait3A_185 = tpu.memref_slice %arg7[%dma_wait3A_183, %dma_wait3A_184] : memref<10240x128xf32, #tpu.memory_space<vmem_shared>> -> memref<10240x128xf32, #tpu.memory_space<vmem_shared>>
          tpu.wait_indirect_dma semaphore(%run_scoped3A : memref<!tpu.dma_semaphore, #tpu.memory_space<semaphore_mem>>) src(%arg10 : memref<128x128xf32, #tpu.memory_space<vmem>>) dst(%dma_wait3A_185 : memref<10240x128xf32, #tpu.memory_space<vmem_shared>>)
          tpu.yield
        }) : () -> ()
        %dma_wait3A_171 = arith.constant 0 : i32
        %dma_wait3A_172 = arith.constant 0 : i32
        %dma_wait3A_173 = tpu.memref_slice %arg4[%dma_wait3A_171, %dma_wait3A_172] : memref<10240x16xf32, #tpu.memory_space<hbm>> -> memref<10240x16xf32, #tpu.memory_space<hbm>>
        tpu.wait_indirect_dma semaphore(%arg22 : memref<!tpu.dma_semaphore, #tpu.memory_space<semaphore_mem>>) src(%dma_wait3A_173 : memref<10240x16xf32, #tpu.memory_space<hbm>>) dst(%arg12 : memref<128x16xf32, #tpu.memory_space<vmem>>)
        "tpu.region"() ({
          %run_scoped3A = tpu.sem_alloc : memref<!tpu.dma_semaphore, #tpu.memory_space<semaphore_mem>>
          %dma_start3A_180 = arith.constant 0 : i32
          %dma_start3A_181 = arith.constant 0 : i32
          %dma_start3A_182 = tpu.memref_slice %arg8[%dma_start3A_180, %dma_start3A_181] : memref<10240x16xf32, #tpu.memory_space<vmem_shared>> -> memref<10240x16xf32, #tpu.memory_space<vmem_shared>>
          tpu.enqueue_indirect_dma source(%arg12 : memref<128x16xf32, #tpu.memory_space<vmem>>) target(%dma_start3A_182 : memref<10240x16xf32, #tpu.memory_space<vmem_shared>>) offsets(%arg14 : memref<128xi32, #tpu.memory_space<vmem>>) semaphore(%run_scoped3A : memref<!tpu.dma_semaphore, #tpu.memory_space<semaphore_mem>>) {add = true}
          %dma_wait3A_183 = arith.constant 0 : i32
          %dma_wait3A_184 = arith.constant 0 : i32
          %dma_wait3A_185 = tpu.memref_slice %arg8[%dma_wait3A_183, %dma_wait3A_184] : memref<10240x16xf32, #tpu.memory_space<vmem_shared>> -> memref<10240x16xf32, #tpu.memory_space<vmem_shared>>
          tpu.wait_indirect_dma semaphore(%run_scoped3A : memref<!tpu.dma_semaphore, #tpu.memory_space<semaphore_mem>>) src(%arg12 : memref<128x16xf32, #tpu.memory_space<vmem>>) dst(%dma_wait3A_185 : memref<10240x16xf32, #tpu.memory_space<vmem_shared>>)
          tpu.yield
        }) : () -> ()
        %sub3A_174 = arith.constant 2 : i32
        %sub3A_175 = arith.subi %select_n3A, %sub3A_174 : i32
        %lt3A_176 = arith.cmpi slt, %add3A_158, %sub3A_175 : i32
        %convert_element_type3A_177 = arith.extui %lt3A_176 : i1 to i32
        %cond3A_178 = arith.constant 0 : i32
        %cond3A_179 = arith.cmpi ne, %convert_element_type3A_177, %cond3A_178 : i32
        scf.if %cond3A_179 {
          %add3A_180 = arith.constant 2 : i32
          %add3A_181 = arith.addi %add3A_158, %add3A_180 : i32
          %add3A_182 = arith.addi %add3A_51, %add3A_181 : i32
          %mul3A_183 = arith.constant 128 : i32
          %mul3A_184 = arith.muli %add3A_182, %mul3A_183 : i32
          %dma_start3A_185 = arith.constant 0 : i32
          %dma_start3A_186 = tpu.memref_slice %arg2[%scan3A_130, %dma_start3A_185] : memref<2x320000xi32, #tpu.memory_space<hbm>> -> memref<1x320000xi32, #tpu.memory_space<hbm>>
          %dma_start3A_187 = tpu.memref_squeeze %dma_start3A_186 : memref<1x320000xi32, #tpu.memory_space<hbm>> -> memref<320000xi32, #tpu.memory_space<hbm>>
          %dma_start3A_188 = tpu.memref_slice %dma_start3A_187[%mul3A_184] : memref<320000xi32, #tpu.memory_space<hbm>> -> memref<128xi32, #tpu.memory_space<hbm>>
          %dma_start3A_189 = arith.constant 0 : i32
          %dma_start3A_190 = tpu.memref_slice %arg2[%scan3A_130, %dma_start3A_189] : memref<2x320000xi32, #tpu.memory_space<hbm>> -> memref<1x320000xi32, #tpu.memory_space<hbm>>
          %dma_start3A_191 = tpu.memref_squeeze %dma_start3A_190 : memref<1x320000xi32, #tpu.memory_space<hbm>> -> memref<320000xi32, #tpu.memory_space<hbm>>
          %dma_start3A_192 = tpu.memref_slice %dma_start3A_191[%mul3A_184] : memref<320000xi32, #tpu.memory_space<hbm>> -> memref<128xi32, #tpu.memory_space<hbm>>
          tpu.enqueue_dma source(%dma_start3A_192 : memref<128xi32, #tpu.memory_space<hbm>>) target(%arg14 : memref<128xi32, #tpu.memory_space<vmem>>) target_semaphore(%arg18 : memref<!tpu.dma_semaphore, #tpu.memory_space<semaphore_mem>>)
          %add3A_193 = arith.addi %add3A_51, %add3A_181 : i32
          %mul3A_194 = arith.constant 128 : i32
          %mul3A_195 = arith.muli %add3A_193, %mul3A_194 : i32
          %dma_start3A_196 = arith.constant 0 : i32
          %dma_start3A_197 = tpu.memref_slice %arg2[%scan3A_131, %dma_start3A_196] : memref<2x320000xi32, #tpu.memory_space<hbm>> -> memref<1x320000xi32, #tpu.memory_space<hbm>>
          %dma_start3A_198 = tpu.memref_squeeze %dma_start3A_197 : memref<1x320000xi32, #tpu.memory_space<hbm>> -> memref<320000xi32, #tpu.memory_space<hbm>>
          %dma_start3A_199 = tpu.memref_slice %dma_start3A_198[%mul3A_195] : memref<320000xi32, #tpu.memory_space<hbm>> -> memref<128xi32, #tpu.memory_space<hbm>>
          %dma_start3A_200 = arith.constant 0 : i32
          %dma_start3A_201 = tpu.memref_slice %arg2[%scan3A_131, %dma_start3A_200] : memref<2x320000xi32, #tpu.memory_space<hbm>> -> memref<1x320000xi32, #tpu.memory_space<hbm>>
          %dma_start3A_202 = tpu.memref_squeeze %dma_start3A_201 : memref<1x320000xi32, #tpu.memory_space<hbm>> -> memref<320000xi32, #tpu.memory_space<hbm>>
          %dma_start3A_203 = tpu.memref_slice %dma_start3A_202[%mul3A_195] : memref<320000xi32, #tpu.memory_space<hbm>> -> memref<128xi32, #tpu.memory_space<hbm>>
          tpu.enqueue_dma source(%dma_start3A_203 : memref<128xi32, #tpu.memory_space<hbm>>) target(%arg16 : memref<128xi32, #tpu.memory_space<vmem>>) target_semaphore(%arg18 : memref<!tpu.dma_semaphore, #tpu.memory_space<semaphore_mem>>)
        } else {
        }
      } else {
      }
    }
    %scan3A_136 = arith.constant 40 : i32
    %barrier3A_137 = arith.constant 0 : index
    tpu.barrier barrier_id(%barrier3A_137)
    %mul3A_138 = arith.constant 640 : i32
    %mul3A_139 = arith.muli %arg1, %mul3A_138 : i32
    %mul3A_140 = arith.constant 640 : i32
    %mul3A_141 = arith.muli %arg1, %mul3A_140 : i32
    "tpu.region"() ({
      %run_scoped3A = tpu.sem_alloc : memref<!tpu.dma_semaphore, #tpu.memory_space<semaphore_mem>>
      %dma_start3A_146 = arith.constant 0 : i32
      %dma_start3A_147 = tpu.memref_slice %arg5[%arg0, %mul3A_141, %dma_start3A_146] : memref<2x10240x128xf32, #tpu.memory_space<hbm>> -> memref<1x640x128xf32, #tpu.memory_space<hbm>>
      %dma_start3A_148 = tpu.memref_squeeze %dma_start3A_147 : memref<1x640x128xf32, #tpu.memory_space<hbm>> -> memref<640x128xf32, #tpu.memory_space<hbm>>
      %dma_start3A_149 = arith.constant 0 : i32
      %dma_start3A_150 = tpu.memref_slice %arg7[%mul3A_139, %dma_start3A_149] : memref<10240x128xf32, #tpu.memory_space<vmem_shared>> -> memref<640x128xf32, #tpu.memory_space<vmem_shared>>
      tpu.enqueue_dma source(%dma_start3A_150 : memref<640x128xf32, #tpu.memory_space<vmem_shared>>) target(%dma_start3A_148 : memref<640x128xf32, #tpu.memory_space<hbm>>) target_semaphore(%run_scoped3A : memref<!tpu.dma_semaphore, #tpu.memory_space<semaphore_mem>>)
      %dma_wait3A_151 = arith.constant 0 : i32
      %dma_wait3A_152 = tpu.memref_slice %arg5[%arg0, %mul3A_141, %dma_wait3A_151] : memref<2x10240x128xf32, #tpu.memory_space<hbm>> -> memref<1x640x128xf32, #tpu.memory_space<hbm>>
      %dma_wait3A_153 = tpu.memref_squeeze %dma_wait3A_152 : memref<1x640x128xf32, #tpu.memory_space<hbm>> -> memref<640x128xf32, #tpu.memory_space<hbm>>
      %dma_wait3A_154 = arith.constant 0 : i32
      %dma_wait3A_155 = tpu.memref_slice %arg7[%mul3A_139, %dma_wait3A_154] : memref<10240x128xf32, #tpu.memory_space<vmem_shared>> -> memref<640x128xf32, #tpu.memory_space<vmem_shared>>
      tpu.wait_dma2 semaphore(%run_scoped3A : memref<!tpu.dma_semaphore, #tpu.memory_space<semaphore_mem>>) src(%dma_wait3A_155 : memref<640x128xf32, #tpu.memory_space<vmem_shared>>) dst(%dma_wait3A_153 : memref<640x128xf32, #tpu.memory_space<hbm>>)
      tpu.yield
    }) : () -> ()
    %mul3A_142 = arith.constant 640 : i32
    %mul3A_143 = arith.muli %arg1, %mul3A_142 : i32
    %mul3A_144 = arith.constant 640 : i32
    %mul3A_145 = arith.muli %arg1, %mul3A_144 : i32
    "tpu.region"() ({
      %run_scoped3A = tpu.sem_alloc : memref<!tpu.dma_semaphore, #tpu.memory_space<semaphore_mem>>
      %dma_start3A_146 = arith.constant 0 : i32
      %dma_start3A_147 = tpu.memref_slice %arg6[%arg0, %mul3A_145, %dma_start3A_146] : memref<2x10240x16xf32, #tpu.memory_space<hbm>> -> memref<1x640x16xf32, #tpu.memory_space<hbm>>
      %dma_start3A_148 = tpu.memref_squeeze %dma_start3A_147 : memref<1x640x16xf32, #tpu.memory_space<hbm>> -> memref<640x16xf32, #tpu.memory_space<hbm>>
      %dma_start3A_149 = arith.constant 0 : i32
      %dma_start3A_150 = tpu.memref_slice %arg8[%mul3A_143, %dma_start3A_149] : memref<10240x16xf32, #tpu.memory_space<vmem_shared>> -> memref<640x16xf32, #tpu.memory_space<vmem_shared>>
      tpu.enqueue_dma source(%dma_start3A_150 : memref<640x16xf32, #tpu.memory_space<vmem_shared>>) target(%dma_start3A_148 : memref<640x16xf32, #tpu.memory_space<hbm>>) target_semaphore(%run_scoped3A : memref<!tpu.dma_semaphore, #tpu.memory_space<semaphore_mem>>)
      %dma_wait3A_151 = arith.constant 0 : i32
      %dma_wait3A_152 = tpu.memref_slice %arg6[%arg0, %mul3A_145, %dma_wait3A_151] : memref<2x10240x16xf32, #tpu.memory_space<hbm>> -> memref<1x640x16xf32, #tpu.memory_space<hbm>>
      %dma_wait3A_153 = tpu.memref_squeeze %dma_wait3A_152 : memref<1x640x16xf32, #tpu.memory_space<hbm>> -> memref<640x16xf32, #tpu.memory_space<hbm>>
      %dma_wait3A_154 = arith.constant 0 : i32
      %dma_wait3A_155 = tpu.memref_slice %arg8[%mul3A_143, %dma_wait3A_154] : memref<10240x16xf32, #tpu.memory_space<vmem_shared>> -> memref<640x16xf32, #tpu.memory_space<vmem_shared>>
      tpu.wait_dma2 semaphore(%run_scoped3A : memref<!tpu.dma_semaphore, #tpu.memory_space<semaphore_mem>>) src(%dma_wait3A_155 : memref<640x16xf32, #tpu.memory_space<vmem_shared>>) dst(%dma_wait3A_153 : memref<640x16xf32, #tpu.memory_space<hbm>>)
      tpu.yield
    }) : () -> ()
    return
  }
}

#map = affine_map<(d0, d1) -> (0, 0)>
#map1 = affine_map<(d0, d1) -> (0, 0, 0)>
module attributes {stable_mosaic.version = 14 : i64} {
  func.func @k(%arg0: i32, %arg1: i32, %arg2: memref<2x320000xi32, #tpu.memory_space<hbm>>, %arg3: memref<2x10240x16xf32, #tpu.memory_space<hbm>>, %arg4: memref<16x10240xf32, #tpu.memory_space<vmem_shared>>, %arg5: memref<10240xf32, #tpu.memory_space<vmem>>, %arg6: memref<16x640xf32, #tpu.memory_space<vmem>>, %arg7: memref<640xf32, #tpu.memory_space<vmem>>, %arg8: memref<640x16xf32, #tpu.memory_space<vmem>>, %arg9: memref<2000xi32, #tpu.memory_space<vmem>>, %arg10: memref<2000xi32, #tpu.memory_space<vmem>>, %arg11: memref<!tpu.dma_semaphore, #tpu.memory_space<semaphore_mem>>, %arg12: memref<!tpu.dma_semaphore, #tpu.memory_space<semaphore_mem>>) attributes {dimension_semantics = [#tpu.dimension_semantics<core_parallel>, #tpu.dimension_semantics<subcore_parallel>], iteration_bounds = array<i64: 2, 16>, scalar_prefetch = 0 : i64, scratch_operands = 9 : i64, tpu.core_type = #tpu.core_type<sc_vector_subcore>, window_params = [{transform_indices = #map}, {transform_indices = #map1}]} {
    %mul3A = arith.constant 16 : i32
    %mul3A_0 = arith.muli %arg0, %mul3A : i32
    %add3A = arith.addi %mul3A_0, %arg1 : i32
    %mul3A_1 = arith.constant 10000 : i32
    %mul3A_2 = arith.muli %add3A, %mul3A_1 : i32
    %dma_start3A = arith.constant 1 : i32
    %dma_start3A_3 = arith.constant 0 : i32
    %dma_start3A_4 = tpu.memref_slice %arg2[%dma_start3A, %dma_start3A_3] : memref<2x320000xi32, #tpu.memory_space<hbm>> -> memref<1x320000xi32, #tpu.memory_space<hbm>>
    %dma_start3A_5 = tpu.memref_squeeze %dma_start3A_4 : memref<1x320000xi32, #tpu.memory_space<hbm>> -> memref<320000xi32, #tpu.memory_space<hbm>>
    %dma_start3A_6 = tpu.memref_slice %dma_start3A_5[%mul3A_2] : memref<320000xi32, #tpu.memory_space<hbm>> -> memref<2000xi32, #tpu.memory_space<hbm>>
    %dma_start3A_7 = arith.constant 0 : i32
    %dma_start3A_8 = tpu.memref_slice %arg2[%dma_start3A, %dma_start3A_7] : memref<2x320000xi32, #tpu.memory_space<hbm>> -> memref<1x320000xi32, #tpu.memory_space<hbm>>
    %dma_start3A_9 = tpu.memref_squeeze %dma_start3A_8 : memref<1x320000xi32, #tpu.memory_space<hbm>> -> memref<320000xi32, #tpu.memory_space<hbm>>
    %dma_start3A_10 = tpu.memref_slice %dma_start3A_9[%mul3A_2] : memref<320000xi32, #tpu.memory_space<hbm>> -> memref<2000xi32, #tpu.memory_space<hbm>>
    tpu.enqueue_dma source(%dma_start3A_10 : memref<2000xi32, #tpu.memory_space<hbm>>) target(%arg9 : memref<2000xi32, #tpu.memory_space<vmem>>) target_semaphore(%arg11 : memref<!tpu.dma_semaphore, #tpu.memory_space<semaphore_mem>>)
    %broadcast_in_dim3A = arith.constant 0.000000e+00 : f32
    %broadcast_in_dim3A_11 = vector.broadcast %broadcast_in_dim3A : f32 to vector<16xf32>
    %broadcast_in_dim3A_12 = arith.constant 1.000000e+00 : f32
    %broadcast_in_dim3A_13 = vector.broadcast %broadcast_in_dim3A_12 : f32 to vector<16xf32>
    %scan3A = arith.constant 0 : i32
    %scan3A_14 = arith.constant 640 : i32
    %scan3A_15 = arith.addi %scan3A, %scan3A_14 : i32
    %scan3A_16 = arith.constant 1 : i32
    scf.for %scan3A_150 = %scan3A to %scan3A_15 step %scan3A_16  : i32 {
      %mul3A_151 = arith.constant 1 : i32
      %mul3A_152 = arith.muli %scan3A_150, %mul3A_151 : i32
      %add3A_153 = arith.constant 0 : i32
      %add3A_154 = arith.addi %add3A_153, %mul3A_152 : i32
      %mul3A_155 = arith.constant 16 : i32
      %mul3A_156 = arith.muli %add3A_154, %mul3A_155 : i32
      %swap3A = arith.index_cast %mul3A_156 : i32 to index
      %swap3A_157 = tpu.vector_load %arg5[%swap3A] {strides = array<i32>} : memref<10240xf32, #tpu.memory_space<vmem>>, vector<16xf32>,
      tpu.vector_store %arg5[%swap3A], %broadcast_in_dim3A_11 {strides = array<i32>} : memref<10240xf32, #tpu.memory_space<vmem>>, vector<16xf32>,
    }
    %scan3A_17 = arith.constant 640 : i32
    %dma_wait3A = arith.constant 1 : i32
    %dma_wait3A_18 = arith.constant 0 : i32
    %dma_wait3A_19 = tpu.memref_slice %arg2[%dma_wait3A, %dma_wait3A_18] : memref<2x320000xi32, #tpu.memory_space<hbm>> -> memref<1x320000xi32, #tpu.memory_space<hbm>>
    %dma_wait3A_20 = tpu.memref_squeeze %dma_wait3A_19 : memref<1x320000xi32, #tpu.memory_space<hbm>> -> memref<320000xi32, #tpu.memory_space<hbm>>
    %dma_wait3A_21 = arith.constant 0 : i32
    %dma_wait3A_22 = tpu.memref_slice %dma_wait3A_20[%dma_wait3A_21] : memref<320000xi32, #tpu.memory_space<hbm>> -> memref<2000xi32, #tpu.memory_space<hbm>>
    %dma_wait3A_23 = arith.constant 0 : i32
    %dma_wait3A_24 = tpu.memref_slice %arg2[%dma_wait3A, %dma_wait3A_23] : memref<2x320000xi32, #tpu.memory_space<hbm>> -> memref<1x320000xi32, #tpu.memory_space<hbm>>
    %dma_wait3A_25 = tpu.memref_squeeze %dma_wait3A_24 : memref<1x320000xi32, #tpu.memory_space<hbm>> -> memref<320000xi32, #tpu.memory_space<hbm>>
    %dma_wait3A_26 = arith.constant 0 : i32
    %dma_wait3A_27 = tpu.memref_slice %dma_wait3A_25[%dma_wait3A_26] : memref<320000xi32, #tpu.memory_space<hbm>> -> memref<2000xi32, #tpu.memory_space<hbm>>
    tpu.wait_dma2 semaphore(%arg11 : memref<!tpu.dma_semaphore, #tpu.memory_space<semaphore_mem>>) src(%dma_wait3A_27 : memref<2000xi32, #tpu.memory_space<hbm>>) dst(%arg9 : memref<2000xi32, #tpu.memory_space<vmem>>)
    %add3A_28 = arith.constant 2000 : i32
    %add3A_29 = arith.addi %mul3A_2, %add3A_28 : i32
    %dma_start3A_30 = arith.constant 1 : i32
    %dma_start3A_31 = arith.constant 0 : i32
    %dma_start3A_32 = tpu.memref_slice %arg2[%dma_start3A_30, %dma_start3A_31] : memref<2x320000xi32, #tpu.memory_space<hbm>> -> memref<1x320000xi32, #tpu.memory_space<hbm>>
    %dma_start3A_33 = tpu.memref_squeeze %dma_start3A_32 : memref<1x320000xi32, #tpu.memory_space<hbm>> -> memref<320000xi32, #tpu.memory_space<hbm>>
    %dma_start3A_34 = tpu.memref_slice %dma_start3A_33[%add3A_29] : memref<320000xi32, #tpu.memory_space<hbm>> -> memref<2000xi32, #tpu.memory_space<hbm>>
    %dma_start3A_35 = arith.constant 0 : i32
    %dma_start3A_36 = tpu.memref_slice %arg2[%dma_start3A_30, %dma_start3A_35] : memref<2x320000xi32, #tpu.memory_space<hbm>> -> memref<1x320000xi32, #tpu.memory_space<hbm>>
    %dma_start3A_37 = tpu.memref_squeeze %dma_start3A_36 : memref<1x320000xi32, #tpu.memory_space<hbm>> -> memref<320000xi32, #tpu.memory_space<hbm>>
    %dma_start3A_38 = tpu.memref_slice %dma_start3A_37[%add3A_29] : memref<320000xi32, #tpu.memory_space<hbm>> -> memref<2000xi32, #tpu.memory_space<hbm>>
    tpu.enqueue_dma source(%dma_start3A_38 : memref<2000xi32, #tpu.memory_space<hbm>>) target(%arg10 : memref<2000xi32, #tpu.memory_space<vmem>>) target_semaphore(%arg12 : memref<!tpu.dma_semaphore, #tpu.memory_space<semaphore_mem>>)
    %scan3A_39 = arith.constant 0 : i32
    %scan3A_40 = arith.constant 125 : i32
    %scan3A_41 = arith.addi %scan3A_39, %scan3A_40 : i32
    %scan3A_42 = arith.constant 1 : i32
    scf.for %scan3A_150 = %scan3A_39 to %scan3A_41 step %scan3A_42  : i32 {
      %mul3A_151 = arith.constant 1 : i32
      %mul3A_152 = arith.muli %scan3A_150, %mul3A_151 : i32
      %add3A_153 = arith.constant 0 : i32
      %add3A_154 = arith.addi %add3A_153, %mul3A_152 : i32
      %mul3A_155 = arith.constant 16 : i32
      %mul3A_156 = arith.muli %add3A_154, %mul3A_155 : i32
      %get3A = arith.index_cast %mul3A_156 : i32 to index
      %get3A_157 = tpu.vector_load %arg9[%get3A] {strides = array<i32>} : memref<2000xi32, #tpu.memory_space<vmem>>, vector<16xi32>,
      tpu.vector_store_idx %arg5[%get3A_157], %broadcast_in_dim3A_13 {add = true} : memref<10240xf32, #tpu.memory_space<vmem>>[vector<16xi32>], vector<16xf32>,
    }
    %scan3A_43 = arith.constant 125 : i32
    %dma_wait3A_44 = arith.constant 1 : i32
    %dma_wait3A_45 = arith.constant 0 : i32
    %dma_wait3A_46 = tpu.memref_slice %arg2[%dma_wait3A_44, %dma_wait3A_45] : memref<2x320000xi32, #tpu.memory_space<hbm>> -> memref<1x320000xi32, #tpu.memory_space<hbm>>
    %dma_wait3A_47 = tpu.memref_squeeze %dma_wait3A_46 : memref<1x320000xi32, #tpu.memory_space<hbm>> -> memref<320000xi32, #tpu.memory_space<hbm>>
    %dma_wait3A_48 = arith.constant 0 : i32
    %dma_wait3A_49 = tpu.memref_slice %dma_wait3A_47[%dma_wait3A_48] : memref<320000xi32, #tpu.memory_space<hbm>> -> memref<2000xi32, #tpu.memory_space<hbm>>
    %dma_wait3A_50 = arith.constant 0 : i32
    %dma_wait3A_51 = tpu.memref_slice %arg2[%dma_wait3A_44, %dma_wait3A_50] : memref<2x320000xi32, #tpu.memory_space<hbm>> -> memref<1x320000xi32, #tpu.memory_space<hbm>>
    %dma_wait3A_52 = tpu.memref_squeeze %dma_wait3A_51 : memref<1x320000xi32, #tpu.memory_space<hbm>> -> memref<320000xi32, #tpu.memory_space<hbm>>
    %dma_wait3A_53 = arith.constant 0 : i32
    %dma_wait3A_54 = tpu.memref_slice %dma_wait3A_52[%dma_wait3A_53] : memref<320000xi32, #tpu.memory_space<hbm>> -> memref<2000xi32, #tpu.memory_space<hbm>>
    tpu.wait_dma2 semaphore(%arg12 : memref<!tpu.dma_semaphore, #tpu.memory_space<semaphore_mem>>) src(%dma_wait3A_54 : memref<2000xi32, #tpu.memory_space<hbm>>) dst(%arg10 : memref<2000xi32, #tpu.memory_space<vmem>>)
    %add3A_55 = arith.constant 4000 : i32
    %add3A_56 = arith.addi %mul3A_2, %add3A_55 : i32
    %dma_start3A_57 = arith.constant 1 : i32
    %dma_start3A_58 = arith.constant 0 : i32
    %dma_start3A_59 = tpu.memref_slice %arg2[%dma_start3A_57, %dma_start3A_58] : memref<2x320000xi32, #tpu.memory_space<hbm>> -> memref<1x320000xi32, #tpu.memory_space<hbm>>
    %dma_start3A_60 = tpu.memref_squeeze %dma_start3A_59 : memref<1x320000xi32, #tpu.memory_space<hbm>> -> memref<320000xi32, #tpu.memory_space<hbm>>
    %dma_start3A_61 = tpu.memref_slice %dma_start3A_60[%add3A_56] : memref<320000xi32, #tpu.memory_space<hbm>> -> memref<2000xi32, #tpu.memory_space<hbm>>
    %dma_start3A_62 = arith.constant 0 : i32
    %dma_start3A_63 = tpu.memref_slice %arg2[%dma_start3A_57, %dma_start3A_62] : memref<2x320000xi32, #tpu.memory_space<hbm>> -> memref<1x320000xi32, #tpu.memory_space<hbm>>
    %dma_start3A_64 = tpu.memref_squeeze %dma_start3A_63 : memref<1x320000xi32, #tpu.memory_space<hbm>> -> memref<320000xi32, #tpu.memory_space<hbm>>
    %dma_start3A_65 = tpu.memref_slice %dma_start3A_64[%add3A_56] : memref<320000xi32, #tpu.memory_space<hbm>> -> memref<2000xi32, #tpu.memory_space<hbm>>
    tpu.enqueue_dma source(%dma_start3A_65 : memref<2000xi32, #tpu.memory_space<hbm>>) target(%arg9 : memref<2000xi32, #tpu.memory_space<vmem>>) target_semaphore(%arg11 : memref<!tpu.dma_semaphore, #tpu.memory_space<semaphore_mem>>)
    %scan3A_66 = arith.constant 0 : i32
    %scan3A_67 = arith.constant 125 : i32
    %scan3A_68 = arith.addi %scan3A_66, %scan3A_67 : i32
    %scan3A_69 = arith.constant 1 : i32
    scf.for %scan3A_150 = %scan3A_66 to %scan3A_68 step %scan3A_69  : i32 {
      %mul3A_151 = arith.constant 1 : i32
      %mul3A_152 = arith.muli %scan3A_150, %mul3A_151 : i32
      %add3A_153 = arith.constant 0 : i32
      %add3A_154 = arith.addi %add3A_153, %mul3A_152 : i32
      %mul3A_155 = arith.constant 16 : i32
      %mul3A_156 = arith.muli %add3A_154, %mul3A_155 : i32
      %get3A = arith.index_cast %mul3A_156 : i32 to index
      %get3A_157 = tpu.vector_load %arg10[%get3A] {strides = array<i32>} : memref<2000xi32, #tpu.memory_space<vmem>>, vector<16xi32>,
      tpu.vector_store_idx %arg5[%get3A_157], %broadcast_in_dim3A_13 {add = true} : memref<10240xf32, #tpu.memory_space<vmem>>[vector<16xi32>], vector<16xf32>,
    }
    %scan3A_70 = arith.constant 125 : i32
    %dma_wait3A_71 = arith.constant 1 : i32
    %dma_wait3A_72 = arith.constant 0 : i32
    %dma_wait3A_73 = tpu.memref_slice %arg2[%dma_wait3A_71, %dma_wait3A_72] : memref<2x320000xi32, #tpu.memory_space<hbm>> -> memref<1x320000xi32, #tpu.memory_space<hbm>>
    %dma_wait3A_74 = tpu.memref_squeeze %dma_wait3A_73 : memref<1x320000xi32, #tpu.memory_space<hbm>> -> memref<320000xi32, #tpu.memory_space<hbm>>
    %dma_wait3A_75 = arith.constant 0 : i32
    %dma_wait3A_76 = tpu.memref_slice %dma_wait3A_74[%dma_wait3A_75] : memref<320000xi32, #tpu.memory_space<hbm>> -> memref<2000xi32, #tpu.memory_space<hbm>>
    %dma_wait3A_77 = arith.constant 0 : i32
    %dma_wait3A_78 = tpu.memref_slice %arg2[%dma_wait3A_71, %dma_wait3A_77] : memref<2x320000xi32, #tpu.memory_space<hbm>> -> memref<1x320000xi32, #tpu.memory_space<hbm>>
    %dma_wait3A_79 = tpu.memref_squeeze %dma_wait3A_78 : memref<1x320000xi32, #tpu.memory_space<hbm>> -> memref<320000xi32, #tpu.memory_space<hbm>>
    %dma_wait3A_80 = arith.constant 0 : i32
    %dma_wait3A_81 = tpu.memref_slice %dma_wait3A_79[%dma_wait3A_80] : memref<320000xi32, #tpu.memory_space<hbm>> -> memref<2000xi32, #tpu.memory_space<hbm>>
    tpu.wait_dma2 semaphore(%arg11 : memref<!tpu.dma_semaphore, #tpu.memory_space<semaphore_mem>>) src(%dma_wait3A_81 : memref<2000xi32, #tpu.memory_space<hbm>>) dst(%arg9 : memref<2000xi32, #tpu.memory_space<vmem>>)
    %add3A_82 = arith.constant 6000 : i32
    %add3A_83 = arith.addi %mul3A_2, %add3A_82 : i32
    %dma_start3A_84 = arith.constant 1 : i32
    %dma_start3A_85 = arith.constant 0 : i32
    %dma_start3A_86 = tpu.memref_slice %arg2[%dma_start3A_84, %dma_start3A_85] : memref<2x320000xi32, #tpu.memory_space<hbm>> -> memref<1x320000xi32, #tpu.memory_space<hbm>>
    %dma_start3A_87 = tpu.memref_squeeze %dma_start3A_86 : memref<1x320000xi32, #tpu.memory_space<hbm>> -> memref<320000xi32, #tpu.memory_space<hbm>>
    %dma_start3A_88 = tpu.memref_slice %dma_start3A_87[%add3A_83] : memref<320000xi32, #tpu.memory_space<hbm>> -> memref<2000xi32, #tpu.memory_space<hbm>>
    %dma_start3A_89 = arith.constant 0 : i32
    %dma_start3A_90 = tpu.memref_slice %arg2[%dma_start3A_84, %dma_start3A_89] : memref<2x320000xi32, #tpu.memory_space<hbm>> -> memref<1x320000xi32, #tpu.memory_space<hbm>>
    %dma_start3A_91 = tpu.memref_squeeze %dma_start3A_90 : memref<1x320000xi32, #tpu.memory_space<hbm>> -> memref<320000xi32, #tpu.memory_space<hbm>>
    %dma_start3A_92 = tpu.memref_slice %dma_start3A_91[%add3A_83] : memref<320000xi32, #tpu.memory_space<hbm>> -> memref<2000xi32, #tpu.memory_space<hbm>>
    tpu.enqueue_dma source(%dma_start3A_92 : memref<2000xi32, #tpu.memory_space<hbm>>) target(%arg10 : memref<2000xi32, #tpu.memory_space<vmem>>) target_semaphore(%arg12 : memref<!tpu.dma_semaphore, #tpu.memory_space<semaphore_mem>>)
    %scan3A_93 = arith.constant 0 : i32
    %scan3A_94 = arith.constant 125 : i32
    %scan3A_95 = arith.addi %scan3A_93, %scan3A_94 : i32
    %scan3A_96 = arith.constant 1 : i32
    scf.for %scan3A_150 = %scan3A_93 to %scan3A_95 step %scan3A_96  : i32 {
      %mul3A_151 = arith.constant 1 : i32
      %mul3A_152 = arith.muli %scan3A_150, %mul3A_151 : i32
      %add3A_153 = arith.constant 0 : i32
      %add3A_154 = arith.addi %add3A_153, %mul3A_152 : i32
      %mul3A_155 = arith.constant 16 : i32
      %mul3A_156 = arith.muli %add3A_154, %mul3A_155 : i32
      %get3A = arith.index_cast %mul3A_156 : i32 to index
      %get3A_157 = tpu.vector_load %arg9[%get3A] {strides = array<i32>} : memref<2000xi32, #tpu.memory_space<vmem>>, vector<16xi32>,
      tpu.vector_store_idx %arg5[%get3A_157], %broadcast_in_dim3A_13 {add = true} : memref<10240xf32, #tpu.memory_space<vmem>>[vector<16xi32>], vector<16xf32>,
    }
    %scan3A_97 = arith.constant 125 : i32
    %dma_wait3A_98 = arith.constant 1 : i32
    %dma_wait3A_99 = arith.constant 0 : i32
    %dma_wait3A_100 = tpu.memref_slice %arg2[%dma_wait3A_98, %dma_wait3A_99] : memref<2x320000xi32, #tpu.memory_space<hbm>> -> memref<1x320000xi32, #tpu.memory_space<hbm>>
    %dma_wait3A_101 = tpu.memref_squeeze %dma_wait3A_100 : memref<1x320000xi32, #tpu.memory_space<hbm>> -> memref<320000xi32, #tpu.memory_space<hbm>>
    %dma_wait3A_102 = arith.constant 0 : i32
    %dma_wait3A_103 = tpu.memref_slice %dma_wait3A_101[%dma_wait3A_102] : memref<320000xi32, #tpu.memory_space<hbm>> -> memref<2000xi32, #tpu.memory_space<hbm>>
    %dma_wait3A_104 = arith.constant 0 : i32
    %dma_wait3A_105 = tpu.memref_slice %arg2[%dma_wait3A_98, %dma_wait3A_104] : memref<2x320000xi32, #tpu.memory_space<hbm>> -> memref<1x320000xi32, #tpu.memory_space<hbm>>
    %dma_wait3A_106 = tpu.memref_squeeze %dma_wait3A_105 : memref<1x320000xi32, #tpu.memory_space<hbm>> -> memref<320000xi32, #tpu.memory_space<hbm>>
    %dma_wait3A_107 = arith.constant 0 : i32
    %dma_wait3A_108 = tpu.memref_slice %dma_wait3A_106[%dma_wait3A_107] : memref<320000xi32, #tpu.memory_space<hbm>> -> memref<2000xi32, #tpu.memory_space<hbm>>
    tpu.wait_dma2 semaphore(%arg12 : memref<!tpu.dma_semaphore, #tpu.memory_space<semaphore_mem>>) src(%dma_wait3A_108 : memref<2000xi32, #tpu.memory_space<hbm>>) dst(%arg10 : memref<2000xi32, #tpu.memory_space<vmem>>)
    %add3A_109 = arith.constant 8000 : i32
    %add3A_110 = arith.addi %mul3A_2, %add3A_109 : i32
    %dma_start3A_111 = arith.constant 1 : i32
    %dma_start3A_112 = arith.constant 0 : i32
    %dma_start3A_113 = tpu.memref_slice %arg2[%dma_start3A_111, %dma_start3A_112] : memref<2x320000xi32, #tpu.memory_space<hbm>> -> memref<1x320000xi32, #tpu.memory_space<hbm>>
    %dma_start3A_114 = tpu.memref_squeeze %dma_start3A_113 : memref<1x320000xi32, #tpu.memory_space<hbm>> -> memref<320000xi32, #tpu.memory_space<hbm>>
    %dma_start3A_115 = tpu.memref_slice %dma_start3A_114[%add3A_110] : memref<320000xi32, #tpu.memory_space<hbm>> -> memref<2000xi32, #tpu.memory_space<hbm>>
    %dma_start3A_116 = arith.constant 0 : i32
    %dma_start3A_117 = tpu.memref_slice %arg2[%dma_start3A_111, %dma_start3A_116] : memref<2x320000xi32, #tpu.memory_space<hbm>> -> memref<1x320000xi32, #tpu.memory_space<hbm>>
    %dma_start3A_118 = tpu.memref_squeeze %dma_start3A_117 : memref<1x320000xi32, #tpu.memory_space<hbm>> -> memref<320000xi32, #tpu.memory_space<hbm>>
    %dma_start3A_119 = tpu.memref_slice %dma_start3A_118[%add3A_110] : memref<320000xi32, #tpu.memory_space<hbm>> -> memref<2000xi32, #tpu.memory_space<hbm>>
    tpu.enqueue_dma source(%dma_start3A_119 : memref<2000xi32, #tpu.memory_space<hbm>>) target(%arg9 : memref<2000xi32, #tpu.memory_space<vmem>>) target_semaphore(%arg11 : memref<!tpu.dma_semaphore, #tpu.memory_space<semaphore_mem>>)
    %scan3A_120 = arith.constant 0 : i32
    %scan3A_121 = arith.constant 125 : i32
    %scan3A_122 = arith.addi %scan3A_120, %scan3A_121 : i32
    %scan3A_123 = arith.constant 1 : i32
    scf.for %scan3A_150 = %scan3A_120 to %scan3A_122 step %scan3A_123  : i32 {
      %mul3A_151 = arith.constant 1 : i32
      %mul3A_152 = arith.muli %scan3A_150, %mul3A_151 : i32
      %add3A_153 = arith.constant 0 : i32
      %add3A_154 = arith.addi %add3A_153, %mul3A_152 : i32
      %mul3A_155 = arith.constant 16 : i32
      %mul3A_156 = arith.muli %add3A_154, %mul3A_155 : i32
      %get3A = arith.index_cast %mul3A_156 : i32 to index
      %get3A_157 = tpu.vector_load %arg10[%get3A] {strides = array<i32>} : memref<2000xi32, #tpu.memory_space<vmem>>, vector<16xi32>,
      tpu.vector_store_idx %arg5[%get3A_157], %broadcast_in_dim3A_13 {add = true} : memref<10240xf32, #tpu.memory_space<vmem>>[vector<16xi32>], vector<16xf32>,
    }
    %scan3A_124 = arith.constant 125 : i32
    %dma_wait3A_125 = arith.constant 1 : i32
    %dma_wait3A_126 = arith.constant 0 : i32
    %dma_wait3A_127 = tpu.memref_slice %arg2[%dma_wait3A_125, %dma_wait3A_126] : memref<2x320000xi32, #tpu.memory_space<hbm>> -> memref<1x320000xi32, #tpu.memory_space<hbm>>
    %dma_wait3A_128 = tpu.memref_squeeze %dma_wait3A_127 : memref<1x320000xi32, #tpu.memory_space<hbm>> -> memref<320000xi32, #tpu.memory_space<hbm>>
    %dma_wait3A_129 = arith.constant 0 : i32
    %dma_wait3A_130 = tpu.memref_slice %dma_wait3A_128[%dma_wait3A_129] : memref<320000xi32, #tpu.memory_space<hbm>> -> memref<2000xi32, #tpu.memory_space<hbm>>
    %dma_wait3A_131 = arith.constant 0 : i32
    %dma_wait3A_132 = tpu.memref_slice %arg2[%dma_wait3A_125, %dma_wait3A_131] : memref<2x320000xi32, #tpu.memory_space<hbm>> -> memref<1x320000xi32, #tpu.memory_space<hbm>>
    %dma_wait3A_133 = tpu.memref_squeeze %dma_wait3A_132 : memref<1x320000xi32, #tpu.memory_space<hbm>> -> memref<320000xi32, #tpu.memory_space<hbm>>
    %dma_wait3A_134 = arith.constant 0 : i32
    %dma_wait3A_135 = tpu.memref_slice %dma_wait3A_133[%dma_wait3A_134] : memref<320000xi32, #tpu.memory_space<hbm>> -> memref<2000xi32, #tpu.memory_space<hbm>>
    tpu.wait_dma2 semaphore(%arg11 : memref<!tpu.dma_semaphore, #tpu.memory_space<semaphore_mem>>) src(%dma_wait3A_135 : memref<2000xi32, #tpu.memory_space<hbm>>) dst(%arg9 : memref<2000xi32, #tpu.memory_space<vmem>>)
    %scan3A_136 = arith.constant 0 : i32
    %scan3A_137 = arith.constant 125 : i32
    %scan3A_138 = arith.addi %scan3A_136, %scan3A_137 : i32
    %scan3A_139 = arith.constant 1 : i32
    scf.for %scan3A_150 = %scan3A_136 to %scan3A_138 step %scan3A_139  : i32 {
      %mul3A_151 = arith.constant 1 : i32
      %mul3A_152 = arith.muli %scan3A_150, %mul3A_151 : i32
      %add3A_153 = arith.constant 0 : i32
      %add3A_154 = arith.addi %add3A_153, %mul3A_152 : i32
      %mul3A_155 = arith.constant 16 : i32
      %mul3A_156 = arith.muli %add3A_154, %mul3A_155 : i32
      %get3A = arith.index_cast %mul3A_156 : i32 to index
      %get3A_157 = tpu.vector_load %arg9[%get3A] {strides = array<i32>} : memref<2000xi32, #tpu.memory_space<vmem>>, vector<16xi32>,
      tpu.vector_store_idx %arg5[%get3A_157], %broadcast_in_dim3A_13 {add = true} : memref<10240xf32, #tpu.memory_space<vmem>>[vector<16xi32>], vector<16xf32>,
    }
    %scan3A_140 = arith.constant 125 : i32
    "tpu.region"() ({
      %run_scoped3A = tpu.sem_alloc : memref<!tpu.dma_semaphore, #tpu.memory_space<semaphore_mem>>
      %dma_start3A_150 = arith.constant 0 : i32
      %dma_start3A_151 = tpu.memref_slice %arg4[%arg1, %dma_start3A_150] : memref<16x10240xf32, #tpu.memory_space<vmem_shared>> -> memref<1x10240xf32, #tpu.memory_space<vmem_shared>>
      %dma_start3A_152 = tpu.memref_squeeze %dma_start3A_151 : memref<1x10240xf32, #tpu.memory_space<vmem_shared>> -> memref<10240xf32, #tpu.memory_space<vmem_shared>>
      %dma_start3A_153 = arith.constant 0 : i32
      %dma_start3A_154 = tpu.memref_slice %arg4[%arg1, %dma_start3A_153] : memref<16x10240xf32, #tpu.memory_space<vmem_shared>> -> memref<1x10240xf32, #tpu.memory_space<vmem_shared>>
      %dma_start3A_155 = tpu.memref_squeeze %dma_start3A_154 : memref<1x10240xf32, #tpu.memory_space<vmem_shared>> -> memref<10240xf32, #tpu.memory_space<vmem_shared>>
      tpu.enqueue_dma source(%arg5 : memref<10240xf32, #tpu.memory_space<vmem>>) target(%dma_start3A_155 : memref<10240xf32, #tpu.memory_space<vmem_shared>>) target_semaphore(%run_scoped3A : memref<!tpu.dma_semaphore, #tpu.memory_space<semaphore_mem>>)
      %dma_wait3A_156 = arith.constant 0 : i32
      %dma_wait3A_157 = tpu.memref_slice %arg4[%arg1, %dma_wait3A_156] : memref<16x10240xf32, #tpu.memory_space<vmem_shared>> -> memref<1x10240xf32, #tpu.memory_space<vmem_shared>>
      %dma_wait3A_158 = tpu.memref_squeeze %dma_wait3A_157 : memref<1x10240xf32, #tpu.memory_space<vmem_shared>> -> memref<10240xf32, #tpu.memory_space<vmem_shared>>
      %dma_wait3A_159 = arith.constant 0 : i32
      %dma_wait3A_160 = tpu.memref_slice %arg4[%arg1, %dma_wait3A_159] : memref<16x10240xf32, #tpu.memory_space<vmem_shared>> -> memref<1x10240xf32, #tpu.memory_space<vmem_shared>>
      %dma_wait3A_161 = tpu.memref_squeeze %dma_wait3A_160 : memref<1x10240xf32, #tpu.memory_space<vmem_shared>> -> memref<10240xf32, #tpu.memory_space<vmem_shared>>
      tpu.wait_dma2 semaphore(%run_scoped3A : memref<!tpu.dma_semaphore, #tpu.memory_space<semaphore_mem>>) src(%arg5 : memref<10240xf32, #tpu.memory_space<vmem>>) dst(%dma_wait3A_161 : memref<10240xf32, #tpu.memory_space<vmem_shared>>)
      tpu.yield
    }) : () -> ()
    %barrier3A = arith.constant 0 : index
    tpu.barrier barrier_id(%barrier3A)
    %mul3A_141 = arith.constant 640 : i32
    %mul3A_142 = arith.muli %arg1, %mul3A_141 : i32
    "tpu.region"() ({
      %run_scoped3A = tpu.sem_alloc : memref<!tpu.dma_semaphore, #tpu.memory_space<semaphore_mem>>
      %dma_start3A_150 = arith.constant 0 : i32
      %dma_start3A_151 = tpu.memref_slice %arg4[%dma_start3A_150, %mul3A_142] : memref<16x10240xf32, #tpu.memory_space<vmem_shared>> -> memref<16x640xf32, #tpu.memory_space<vmem_shared>>
      %dma_start3A_152 = arith.constant 0 : i32
      %dma_start3A_153 = tpu.memref_slice %arg4[%dma_start3A_152, %mul3A_142] : memref<16x10240xf32, #tpu.memory_space<vmem_shared>> -> memref<16x640xf32, #tpu.memory_space<vmem_shared>>
      tpu.enqueue_dma source(%dma_start3A_153 : memref<16x640xf32, #tpu.memory_space<vmem_shared>>) target(%arg6 : memref<16x640xf32, #tpu.memory_space<vmem>>) target_semaphore(%run_scoped3A : memref<!tpu.dma_semaphore, #tpu.memory_space<semaphore_mem>>)
      %dma_wait3A_154 = arith.constant 0 : i32
      %dma_wait3A_155 = tpu.memref_slice %arg4[%dma_wait3A_154, %mul3A_142] : memref<16x10240xf32, #tpu.memory_space<vmem_shared>> -> memref<16x640xf32, #tpu.memory_space<vmem_shared>>
      %dma_wait3A_156 = arith.constant 0 : i32
      %dma_wait3A_157 = tpu.memref_slice %arg4[%dma_wait3A_156, %mul3A_142] : memref<16x10240xf32, #tpu.memory_space<vmem_shared>> -> memref<16x640xf32, #tpu.memory_space<vmem_shared>>
      tpu.wait_dma2 semaphore(%run_scoped3A : memref<!tpu.dma_semaphore, #tpu.memory_space<semaphore_mem>>) src(%dma_wait3A_157 : memref<16x640xf32, #tpu.memory_space<vmem_shared>>) dst(%arg6 : memref<16x640xf32, #tpu.memory_space<vmem>>)
      tpu.yield
    }) : () -> ()
    %scan3A_143 = arith.constant 0 : i32
    %scan3A_144 = arith.constant 40 : i32
    %scan3A_145 = arith.addi %scan3A_143, %scan3A_144 : i32
    %scan3A_146 = arith.constant 1 : i32
    scf.for %scan3A_150 = %scan3A_143 to %scan3A_145 step %scan3A_146  : i32 {
      %mul3A_151 = arith.constant 1 : i32
      %mul3A_152 = arith.muli %scan3A_150, %mul3A_151 : i32
      %add3A_153 = arith.constant 0 : i32
      %add3A_154 = arith.addi %add3A_153, %mul3A_152 : i32
      %mul3A_155 = arith.constant 16 : i32
      %mul3A_156 = arith.muli %add3A_154, %mul3A_155 : i32
      %get3A = arith.constant 0 : i32
      %get3A_157 = arith.index_cast %get3A : i32 to index
      %get3A_158 = arith.index_cast %mul3A_156 : i32 to index
      %get3A_159 = tpu.vector_load %arg6[%get3A_157, %get3A_158] {strides = array<i32>} : memref<16x640xf32, #tpu.memory_space<vmem>>, vector<16xf32>,
      %mul3A_160 = arith.constant 16 : i32
      %mul3A_161 = arith.muli %add3A_154, %mul3A_160 : i32
      %get3A_162 = arith.constant 1 : i32
      %get3A_163 = arith.index_cast %get3A_162 : i32 to index
      %get3A_164 = arith.index_cast %mul3A_161 : i32 to index
      %get3A_165 = tpu.vector_load %arg6[%get3A_163, %get3A_164] {strides = array<i32>} : memref<16x640xf32, #tpu.memory_space<vmem>>, vector<16xf32>,
      %add3A_166 = arith.addf %get3A_159, %get3A_165 : vector<16xf32>
      %mul3A_167 = arith.constant 16 : i32
      %mul3A_168 = arith.muli %add3A_154, %mul3A_167 : i32
      %get3A_169 = arith.constant 2 : i32
      %get3A_170 = arith.index_cast %get3A_169 : i32 to index
      %get3A_171 = arith.index_cast %mul3A_168 : i32 to index
      %get3A_172 = tpu.vector_load %arg6[%get3A_170, %get3A_171] {strides = array<i32>} : memref<16x640xf32, #tpu.memory_space<vmem>>, vector<16xf32>,
      %add3A_173 = arith.addf %add3A_166, %get3A_172 : vector<16xf32>
      %mul3A_174 = arith.constant 16 : i32
      %mul3A_175 = arith.muli %add3A_154, %mul3A_174 : i32
      %get3A_176 = arith.constant 3 : i32
      %get3A_177 = arith.index_cast %get3A_176 : i32 to index
      %get3A_178 = arith.index_cast %mul3A_175 : i32 to index
      %get3A_179 = tpu.vector_load %arg6[%get3A_177, %get3A_178] {strides = array<i32>} : memref<16x640xf32, #tpu.memory_space<vmem>>, vector<16xf32>,
      %add3A_180 = arith.addf %add3A_173, %get3A_179 : vector<16xf32>
      %mul3A_181 = arith.constant 16 : i32
      %mul3A_182 = arith.muli %add3A_154, %mul3A_181 : i32
      %get3A_183 = arith.constant 4 : i32
      %get3A_184 = arith.index_cast %get3A_183 : i32 to index
      %get3A_185 = arith.index_cast %mul3A_182 : i32 to index
      %get3A_186 = tpu.vector_load %arg6[%get3A_184, %get3A_185] {strides = array<i32>} : memref<16x640xf32, #tpu.memory_space<vmem>>, vector<16xf32>,
      %add3A_187 = arith.addf %add3A_180, %get3A_186 : vector<16xf32>
      %mul3A_188 = arith.constant 16 : i32
      %mul3A_189 = arith.muli %add3A_154, %mul3A_188 : i32
      %get3A_190 = arith.constant 5 : i32
      %get3A_191 = arith.index_cast %get3A_190 : i32 to index
      %get3A_192 = arith.index_cast %mul3A_189 : i32 to index
      %get3A_193 = tpu.vector_load %arg6[%get3A_191, %get3A_192] {strides = array<i32>} : memref<16x640xf32, #tpu.memory_space<vmem>>, vector<16xf32>,
      %add3A_194 = arith.addf %add3A_187, %get3A_193 : vector<16xf32>
      %mul3A_195 = arith.constant 16 : i32
      %mul3A_196 = arith.muli %add3A_154, %mul3A_195 : i32
      %get3A_197 = arith.constant 6 : i32
      %get3A_198 = arith.index_cast %get3A_197 : i32 to index
      %get3A_199 = arith.index_cast %mul3A_196 : i32 to index
      %get3A_200 = tpu.vector_load %arg6[%get3A_198, %get3A_199] {strides = array<i32>} : memref<16x640xf32, #tpu.memory_space<vmem>>, vector<16xf32>,
      %add3A_201 = arith.addf %add3A_194, %get3A_200 : vector<16xf32>
      %mul3A_202 = arith.constant 16 : i32
      %mul3A_203 = arith.muli %add3A_154, %mul3A_202 : i32
      %get3A_204 = arith.constant 7 : i32
      %get3A_205 = arith.index_cast %get3A_204 : i32 to index
      %get3A_206 = arith.index_cast %mul3A_203 : i32 to index
      %get3A_207 = tpu.vector_load %arg6[%get3A_205, %get3A_206] {strides = array<i32>} : memref<16x640xf32, #tpu.memory_space<vmem>>, vector<16xf32>,
      %add3A_208 = arith.addf %add3A_201, %get3A_207 : vector<16xf32>
      %mul3A_209 = arith.constant 16 : i32
      %mul3A_210 = arith.muli %add3A_154, %mul3A_209 : i32
      %get3A_211 = arith.constant 8 : i32
      %get3A_212 = arith.index_cast %get3A_211 : i32 to index
      %get3A_213 = arith.index_cast %mul3A_210 : i32 to index
      %get3A_214 = tpu.vector_load %arg6[%get3A_212, %get3A_213] {strides = array<i32>} : memref<16x640xf32, #tpu.memory_space<vmem>>, vector<16xf32>,
      %add3A_215 = arith.addf %add3A_208, %get3A_214 : vector<16xf32>
      %mul3A_216 = arith.constant 16 : i32
      %mul3A_217 = arith.muli %add3A_154, %mul3A_216 : i32
      %get3A_218 = arith.constant 9 : i32
      %get3A_219 = arith.index_cast %get3A_218 : i32 to index
      %get3A_220 = arith.index_cast %mul3A_217 : i32 to index
      %get3A_221 = tpu.vector_load %arg6[%get3A_219, %get3A_220] {strides = array<i32>} : memref<16x640xf32, #tpu.memory_space<vmem>>, vector<16xf32>,
      %add3A_222 = arith.addf %add3A_215, %get3A_221 : vector<16xf32>
      %mul3A_223 = arith.constant 16 : i32
      %mul3A_224 = arith.muli %add3A_154, %mul3A_223 : i32
      %get3A_225 = arith.constant 10 : i32
      %get3A_226 = arith.index_cast %get3A_225 : i32 to index
      %get3A_227 = arith.index_cast %mul3A_224 : i32 to index
      %get3A_228 = tpu.vector_load %arg6[%get3A_226, %get3A_227] {strides = array<i32>} : memref<16x640xf32, #tpu.memory_space<vmem>>, vector<16xf32>,
      %add3A_229 = arith.addf %add3A_222, %get3A_228 : vector<16xf32>
      %mul3A_230 = arith.constant 16 : i32
      %mul3A_231 = arith.muli %add3A_154, %mul3A_230 : i32
      %get3A_232 = arith.constant 11 : i32
      %get3A_233 = arith.index_cast %get3A_232 : i32 to index
      %get3A_234 = arith.index_cast %mul3A_231 : i32 to index
      %get3A_235 = tpu.vector_load %arg6[%get3A_233, %get3A_234] {strides = array<i32>} : memref<16x640xf32, #tpu.memory_space<vmem>>, vector<16xf32>,
      %add3A_236 = arith.addf %add3A_229, %get3A_235 : vector<16xf32>
      %mul3A_237 = arith.constant 16 : i32
      %mul3A_238 = arith.muli %add3A_154, %mul3A_237 : i32
      %get3A_239 = arith.constant 12 : i32
      %get3A_240 = arith.index_cast %get3A_239 : i32 to index
      %get3A_241 = arith.index_cast %mul3A_238 : i32 to index
      %get3A_242 = tpu.vector_load %arg6[%get3A_240, %get3A_241] {strides = array<i32>} : memref<16x640xf32, #tpu.memory_space<vmem>>, vector<16xf32>,
      %add3A_243 = arith.addf %add3A_236, %get3A_242 : vector<16xf32>
      %mul3A_244 = arith.constant 16 : i32
      %mul3A_245 = arith.muli %add3A_154, %mul3A_244 : i32
      %get3A_246 = arith.constant 13 : i32
      %get3A_247 = arith.index_cast %get3A_246 : i32 to index
      %get3A_248 = arith.index_cast %mul3A_245 : i32 to index
      %get3A_249 = tpu.vector_load %arg6[%get3A_247, %get3A_248] {strides = array<i32>} : memref<16x640xf32, #tpu.memory_space<vmem>>, vector<16xf32>,
      %add3A_250 = arith.addf %add3A_243, %get3A_249 : vector<16xf32>
      %mul3A_251 = arith.constant 16 : i32
      %mul3A_252 = arith.muli %add3A_154, %mul3A_251 : i32
      %get3A_253 = arith.constant 14 : i32
      %get3A_254 = arith.index_cast %get3A_253 : i32 to index
      %get3A_255 = arith.index_cast %mul3A_252 : i32 to index
      %get3A_256 = tpu.vector_load %arg6[%get3A_254, %get3A_255] {strides = array<i32>} : memref<16x640xf32, #tpu.memory_space<vmem>>, vector<16xf32>,
      %add3A_257 = arith.addf %add3A_250, %get3A_256 : vector<16xf32>
      %mul3A_258 = arith.constant 16 : i32
      %mul3A_259 = arith.muli %add3A_154, %mul3A_258 : i32
      %get3A_260 = arith.constant 15 : i32
      %get3A_261 = arith.index_cast %get3A_260 : i32 to index
      %get3A_262 = arith.index_cast %mul3A_259 : i32 to index
      %get3A_263 = tpu.vector_load %arg6[%get3A_261, %get3A_262] {strides = array<i32>} : memref<16x640xf32, #tpu.memory_space<vmem>>, vector<16xf32>,
      %add3A_264 = arith.addf %add3A_257, %get3A_263 : vector<16xf32>
      %mul3A_265 = arith.constant 16 : i32
      %mul3A_266 = arith.muli %add3A_154, %mul3A_265 : i32
      %swap3A = arith.index_cast %mul3A_266 : i32 to index
      %swap3A_267 = tpu.vector_load %arg7[%swap3A] {strides = array<i32>} : memref<640xf32, #tpu.memory_space<vmem>>, vector<16xf32>,
      tpu.vector_store %arg7[%swap3A], %add3A_264 {strides = array<i32>} : memref<640xf32, #tpu.memory_space<vmem>>, vector<16xf32>,
      %mul3A_268 = arith.constant 16 : i32
      %mul3A_269 = arith.muli %add3A_154, %mul3A_268 : i32
      %iota3A = tpu.iota {dimensions = array<i32: 0>} : vector<16xi32>
      %add3A_270 = vector.broadcast %mul3A_269 : i32 to vector<16xi32>
      %add3A_271 = arith.addi %add3A_270, %iota3A : vector<16xi32>
      %broadcast_in_dim3A_272 = arith.constant 0 : i32
      %broadcast_in_dim3A_273 = vector.broadcast %broadcast_in_dim3A_272 : i32 to vector<16xi32>
      tpu.vector_store_idx %arg8[%add3A_271, %broadcast_in_dim3A_273], %add3A_264 : memref<640x16xf32, #tpu.memory_space<vmem>>[vector<16xi32>, vector<16xi32>], vector<16xf32>,
    }
    %scan3A_147 = arith.constant 40 : i32
    %mul3A_148 = arith.constant 640 : i32
    %mul3A_149 = arith.muli %arg1, %mul3A_148 : i32
    "tpu.region"() ({
      %run_scoped3A = tpu.sem_alloc : memref<!tpu.dma_semaphore, #tpu.memory_space<semaphore_mem>>
      %dma_start3A_150 = arith.constant 0 : i32
      %dma_start3A_151 = tpu.memref_slice %arg3[%arg0, %mul3A_149, %dma_start3A_150] : memref<2x10240x16xf32, #tpu.memory_space<hbm>> -> memref<1x640x16xf32, #tpu.memory_space<hbm>>
      %dma_start3A_152 = tpu.memref_squeeze %dma_start3A_151 : memref<1x640x16xf32, #tpu.memory_space<hbm>> -> memref<640x16xf32, #tpu.memory_space<hbm>>
      %dma_start3A_153 = arith.constant 0 : i32
      %dma_start3A_154 = tpu.memref_slice %arg3[%arg0, %mul3A_149, %dma_start3A_153] : memref<2x10240x16xf32, #tpu.memory_space<hbm>> -> memref<1x640x16xf32, #tpu.memory_space<hbm>>
      %dma_start3A_155 = tpu.memref_squeeze %dma_start3A_154 : memref<1x640x16xf32, #tpu.memory_space<hbm>> -> memref<640x16xf32, #tpu.memory_space<hbm>>
      tpu.enqueue_dma source(%arg8 : memref<640x16xf32, #tpu.memory_space<vmem>>) target(%dma_start3A_155 : memref<640x16xf32, #tpu.memory_space<hbm>>) target_semaphore(%run_scoped3A : memref<!tpu.dma_semaphore, #tpu.memory_space<semaphore_mem>>)
      %dma_wait3A_156 = arith.constant 0 : i32
      %dma_wait3A_157 = tpu.memref_slice %arg3[%arg0, %mul3A_149, %dma_wait3A_156] : memref<2x10240x16xf32, #tpu.memory_space<hbm>> -> memref<1x640x16xf32, #tpu.memory_space<hbm>>
      %dma_wait3A_158 = tpu.memref_squeeze %dma_wait3A_157 : memref<1x640x16xf32, #tpu.memory_space<hbm>> -> memref<640x16xf32, #tpu.memory_space<hbm>>
      %dma_wait3A_159 = arith.constant 0 : i32
      %dma_wait3A_160 = tpu.memref_slice %arg3[%arg0, %mul3A_149, %dma_wait3A_159] : memref<2x10240x16xf32, #tpu.memory_space<hbm>> -> memref<1x640x16xf32, #tpu.memory_space<hbm>>
      %dma_wait3A_161 = tpu.memref_squeeze %dma_wait3A_160 : memref<1x640x16xf32, #tpu.memory_space<hbm>> -> memref<640x16xf32, #tpu.memory_space<hbm>>
      tpu.wait_dma2 semaphore(%run_scoped3A : memref<!tpu.dma_semaphore, #tpu.memory_space<semaphore_mem>>) src(%arg8 : memref<640x16xf32, #tpu.memory_space<vmem>>) dst(%dma_wait3A_161 : memref<640x16xf32, #tpu.memory_space<hbm>>)
      tpu.yield
    }) : () -> ()
    return
  }
}

module attributes {stable_mosaic.version = 14 : i64} {
  func.func @body(%arg0: i32, %arg1: memref<2048x128xf32, #tpu.memory_space<vmem>>, %arg2: memref<128x128xf32, #tpu.memory_space<vmem>>, %arg3: memref<2048x128xf32, #tpu.memory_space<vmem>>) attributes {dimension_semantics = [#tpu.dimension_semantics<arbitrary>], iteration_bounds = array<i64: 5>, scalar_prefetch = 0 : i64, scratch_operands = 0 : i64, tpu.core_type = #tpu.core_type<tc>, window_params = [{transform_indices = @transform_0, window_bounds = array<i64: 2048, 128>}, {pipeline_mode = #tpu.pipeline_mode<synchronous>, transform_indices = @transform_1, window_bounds = array<i64: 128, 128>}, {transform_indices = @transform_2, window_bounds = array<i64: 2048, 128>}]} {
    %get3A = arith.constant 0 : index
    %get3A_0 = arith.constant 0 : index
    %get3A_1 = vector.load %arg1[%get3A, %get3A_0] : memref<2048x128xf32, #tpu.memory_space<vmem>>, vector<2048x128xf32>
    %get3A_2 = arith.constant 0 : index
    %get3A_3 = arith.constant 0 : index
    %get3A_4 = vector.load %arg2[%get3A_2, %get3A_3] : memref<128x128xf32, #tpu.memory_space<vmem>>, vector<128x128xf32>
    %dot_general3A = arith.constant dense<0.000000e+00> : vector<2048x128xf32>
    %dot_general3A_5 = tpu.matmul %get3A_1, %get3A_4, %dot_general3A {dimension_numbers = #tpu.dot_dimension_numbers<[1], [0], [0], [1], [0, 0, 1, 1], [], []>, transpose_lhs_hint = false} : vector<2048x128xf32>, vector<128x128xf32>, vector<2048x128xf32> -> vector<2048x128xf32>
    %swap3A = arith.constant 0 : index
    %swap3A_6 = arith.constant 0 : index
    %swap3A_7 = vector.load %arg3[%swap3A, %swap3A_6] : memref<2048x128xf32, #tpu.memory_space<vmem>>, vector<2048x128xf32>
    tpu.vector_store %arg3[%swap3A, %swap3A_6], %dot_general3A_5 {strides = array<i32>} : memref<2048x128xf32, #tpu.memory_space<vmem>>, vector<2048x128xf32>,
    return
  }
  func.func @transform_0(%arg0: i32) -> (i32, i32) {
    %c0_i32 = arith.constant 0 : i32
    %c0_i32_0 = arith.constant 0 : i32
    return %arg0, %c0_i32 : i32, i32
  }
  func.func @transform_1(%arg0: i32) -> (i32, i32) {
    %c0_i32 = arith.constant 0 : i32
    %c0_i32_0 = arith.constant 0 : i32
    %c0_i32_1 = arith.constant 0 : i32
    return %c0_i32, %c0_i32_0 : i32, i32
  }
  func.func @transform_2(%arg0: i32) -> (i32, i32) {
    %c0_i32 = arith.constant 0 : i32
    %c0_i32_0 = arith.constant 0 : i32
    return %arg0, %c0_i32 : i32, i32
  }
}

module attributes {stable_mosaic.version = 14 : i64} {
  func.func @body(%arg0: i32, %arg1: memref<2048x128xf32, #tpu.memory_space<vmem>>, %arg2: memref<2x2048x16xf32, #tpu.memory_space<vmem>>, %arg3: memref<2048x128xf32, #tpu.memory_space<vmem>>, %arg4: memref<2048x16xf32, #tpu.memory_space<vmem>>) attributes {dimension_semantics = [#tpu.dimension_semantics<arbitrary>], iteration_bounds = array<i64: 5>, scalar_prefetch = 0 : i64, scratch_operands = 0 : i64, tpu.core_type = #tpu.core_type<tc>, window_params = [{transform_indices = @transform_0, window_bounds = array<i64: 2048, 128>}, {transform_indices = @transform_1, window_bounds = array<i64: 2, 2048, 16>}, {transform_indices = @transform_2, window_bounds = array<i64: 2048, 128>}, {transform_indices = @transform_3, window_bounds = array<i64: 2048, 16>}]} {
    %get3A = arith.constant 0 : index
    %get3A_0 = arith.constant 0 : index
    %get3A_1 = arith.constant 0 : index
    %get3A_2 = vector.load %arg2[%get3A, %get3A_0, %get3A_1] : memref<2x2048x16xf32, #tpu.memory_space<vmem>>, vector<1x2048x1xf32>
    %get3A_3 = vector.shape_cast %get3A_2 : vector<1x2048x1xf32> to vector<2048x1xf32>
    %get3A_4 = arith.constant 1 : index
    %get3A_5 = arith.constant 0 : index
    %get3A_6 = arith.constant 0 : index
    %get3A_7 = vector.load %arg2[%get3A_4, %get3A_5, %get3A_6] : memref<2x2048x16xf32, #tpu.memory_space<vmem>>, vector<1x2048x1xf32>
    %get3A_8 = vector.shape_cast %get3A_7 : vector<1x2048x1xf32> to vector<2048x1xf32>
    %add3A = arith.addf %get3A_3, %get3A_8 : vector<2048x1xf32>
    %add3A_9 = arith.constant 1.000000e+00 : f32
    %add3A_10 = vector.broadcast %add3A_9 : f32 to vector<2048x1xf32>
    %add3A_11 = arith.addf %add3A, %add3A_10 : vector<2048x1xf32>
    %rsqrt3A = math.rsqrt %add3A_11 : vector<2048x1xf32>
    %get3A_12 = arith.constant 0 : index
    %get3A_13 = arith.constant 0 : index
    %get3A_14 = vector.load %arg1[%get3A_12, %get3A_13] : memref<2048x128xf32, #tpu.memory_space<vmem>>, vector<2048x128xf32>
    %mul3A = vector.broadcast %rsqrt3A : vector<2048x1xf32> to vector<2048x128xf32>
    %mul3A_15 = arith.mulf %get3A_14, %mul3A : vector<2048x128xf32>
    %swap3A = arith.constant 0 : index
    %swap3A_16 = arith.constant 0 : index
    %swap3A_17 = vector.load %arg3[%swap3A, %swap3A_16] : memref<2048x128xf32, #tpu.memory_space<vmem>>, vector<2048x128xf32>
    tpu.vector_store %arg3[%swap3A, %swap3A_16], %mul3A_15 {strides = array<i32>} : memref<2048x128xf32, #tpu.memory_space<vmem>>, vector<2048x128xf32>,
    %broadcast_in_dim3A = vector.shape_cast %rsqrt3A : vector<2048x1xf32> to vector<2048x1xf32>
    %broadcast_in_dim3A_18 = vector.broadcast %broadcast_in_dim3A : vector<2048x1xf32> to vector<2048x16xf32>
    %swap3A_19 = arith.constant 0 : index
    %swap3A_20 = arith.constant 0 : index
    %swap3A_21 = vector.load %arg4[%swap3A_19, %swap3A_20] : memref<2048x16xf32, #tpu.memory_space<vmem>>, vector<2048x16xf32>
    tpu.vector_store %arg4[%swap3A_19, %swap3A_20], %broadcast_in_dim3A_18 {strides = array<i32>} : memref<2048x16xf32, #tpu.memory_space<vmem>>, vector<2048x16xf32>,
    return
  }
  func.func @transform_0(%arg0: i32) -> (i32, i32) {
    %c0_i32 = arith.constant 0 : i32
    %c0_i32_0 = arith.constant 0 : i32
    return %arg0, %c0_i32 : i32, i32
  }
  func.func @transform_1(%arg0: i32) -> (i32, i32, i32) {
    %c0_i32 = arith.constant 0 : i32
    %c0_i32_0 = arith.constant 0 : i32
    %c0_i32_1 = arith.constant 0 : i32
    return %c0_i32, %arg0, %c0_i32_0 : i32, i32, i32
  }
  func.func @transform_2(%arg0: i32) -> (i32, i32) {
    %c0_i32 = arith.constant 0 : i32
    %c0_i32_0 = arith.constant 0 : i32
    return %arg0, %c0_i32 : i32, i32
  }
  func.func @transform_3(%arg0: i32) -> (i32, i32) {
    %c0_i32 = arith.constant 0 : i32
    %c0_i32_0 = arith.constant 0 : i32
    return %arg0, %c0_i32 : i32, i32
  }
}

module attributes {stable_mosaic.version = 14 : i64} {
  func.func @body(%arg0: i32, %arg1: memref<2x2048x128xf32, #tpu.memory_space<vmem>>, %arg2: memref<2x2048x16xf32, #tpu.memory_space<vmem>>, %arg3: memref<2048x128xf32, #tpu.memory_space<vmem>>, %arg4: memref<2048x16xf32, #tpu.memory_space<vmem>>, %arg5: memref<1x128xf32, #tpu.memory_space<vmem>>, %arg6: memref<128x16xf32, #tpu.memory_space<vmem>>, %arg7: memref<1x16xf32, #tpu.memory_space<vmem>>, %arg8: memref<1x16xf32, #tpu.memory_space<vmem>>, %arg9: memref<1x128xf32, #tpu.memory_space<vmem>>) attributes {dimension_semantics = [#tpu.dimension_semantics<arbitrary>], iteration_bounds = array<i64: 5>, scalar_prefetch = 0 : i64, scratch_operands = 1 : i64, tpu.core_type = #tpu.core_type<tc>, window_params = [{transform_indices = @transform_0, window_bounds = array<i64: 2, 2048, 128>}, {transform_indices = @transform_1, window_bounds = array<i64: 2, 2048, 16>}, {transform_indices = @transform_2, window_bounds = array<i64: 2048, 128>}, {transform_indices = @transform_3, window_bounds = array<i64: 2048, 16>}, {pipeline_mode = #tpu.pipeline_mode<synchronous>, transform_indices = @transform_4, window_bounds = array<i64: 1, 128>}, {pipeline_mode = #tpu.pipeline_mode<synchronous>, transform_indices = @transform_5, window_bounds = array<i64: 128, 16>}, {pipeline_mode = #tpu.pipeline_mode<synchronous>, transform_indices = @transform_6, window_bounds = array<i64: 1, 16>}, {pipeline_mode = #tpu.pipeline_mode<synchronous>, transform_indices = @transform_7, window_bounds = array<i64: 1, 16>}]} {
    %eq3A = arith.constant 0 : i32
    %eq3A_0 = arith.cmpi eq, %arg0, %eq3A : i32
    %convert_element_type3A = arith.extui %eq3A_0 : i1 to i32
    %cond3A = arith.constant 0 : i32
    %cond3A_1 = arith.cmpi ne, %convert_element_type3A, %cond3A : i32
    scf.if %cond3A_1 {
      %broadcast_in_dim3A_60 = arith.constant 0.000000e+00 : f32
      %broadcast_in_dim3A_61 = vector.broadcast %broadcast_in_dim3A_60 : f32 to vector<1x128xf32>
      %swap3A_62 = arith.constant 0 : index
      %swap3A_63 = arith.constant 0 : index
      %swap3A_64 = vector.load %arg9[%swap3A_62, %swap3A_63] : memref<1x128xf32, #tpu.memory_space<vmem>>, vector<1x128xf32>
      tpu.vector_store %arg9[%swap3A_62, %swap3A_63], %broadcast_in_dim3A_61 {strides = array<i32>} : memref<1x128xf32, #tpu.memory_space<vmem>>, vector<1x128xf32>,
    } else {
    }
    %get3A = arith.constant 0 : index
    %get3A_2 = arith.constant 0 : index
    %get3A_3 = vector.load %arg4[%get3A, %get3A_2] : memref<2048x16xf32, #tpu.memory_space<vmem>>, vector<2048x1xf32>
    %get3A_4 = arith.constant 0 : index
    %get3A_5 = arith.constant 0 : index
    %get3A_6 = arith.constant 0 : index
    %get3A_7 = vector.load %arg1[%get3A_4, %get3A_5, %get3A_6] : memref<2x2048x128xf32, #tpu.memory_space<vmem>>, vector<1x2048x128xf32>
    %get3A_8 = vector.shape_cast %get3A_7 : vector<1x2048x128xf32> to vector<2048x128xf32>
    %get3A_9 = arith.constant 1 : index
    %get3A_10 = arith.constant 0 : index
    %get3A_11 = arith.constant 0 : index
    %get3A_12 = vector.load %arg1[%get3A_9, %get3A_10, %get3A_11] : memref<2x2048x128xf32, #tpu.memory_space<vmem>>, vector<1x2048x128xf32>
    %get3A_13 = vector.shape_cast %get3A_12 : vector<1x2048x128xf32> to vector<2048x128xf32>
    %add3A = arith.addf %get3A_8, %get3A_13 : vector<2048x128xf32>
    %get3A_14 = arith.constant 0 : index
    %get3A_15 = arith.constant 0 : index
    %get3A_16 = vector.load %arg3[%get3A_14, %get3A_15] : memref<2048x128xf32, #tpu.memory_space<vmem>>, vector<2048x128xf32>
    %add3A_17 = arith.addf %add3A, %get3A_16 : vector<2048x128xf32>
    %mul3A = vector.broadcast %get3A_3 : vector<2048x1xf32> to vector<2048x128xf32>
    %mul3A_18 = arith.mulf %mul3A, %add3A_17 : vector<2048x128xf32>
    %get3A_19 = arith.constant 0 : index
    %get3A_20 = arith.constant 0 : index
    %get3A_21 = vector.load %arg5[%get3A_19, %get3A_20] : memref<1x128xf32, #tpu.memory_space<vmem>>, vector<1x128xf32>
    %add3A_22 = vector.broadcast %get3A_21 : vector<1x128xf32> to vector<2048x128xf32>
    %add3A_23 = arith.addf %mul3A_18, %add3A_22 : vector<2048x128xf32>
    %max3A = arith.constant 0.000000e+00 : f32
    %max3A_24 = vector.broadcast %max3A : f32 to vector<2048x128xf32>
    %max3A_25 = arith.maximumf %add3A_23, %max3A_24 : vector<2048x128xf32>
    %get3A_26 = arith.constant 0 : index
    %get3A_27 = arith.constant 0 : index
    %get3A_28 = arith.constant 0 : index
    %get3A_29 = vector.load %arg2[%get3A_26, %get3A_27, %get3A_28] : memref<2x2048x16xf32, #tpu.memory_space<vmem>>, vector<1x2048x1xf32>
    %get3A_30 = vector.shape_cast %get3A_29 : vector<1x2048x1xf32> to vector<2048x1xf32>
    %get3A_31 = arith.constant 1 : index
    %get3A_32 = arith.constant 0 : index
    %get3A_33 = arith.constant 0 : index
    %get3A_34 = vector.load %arg2[%get3A_31, %get3A_32, %get3A_33] : memref<2x2048x16xf32, #tpu.memory_space<vmem>>, vector<1x2048x1xf32>
    %get3A_35 = vector.shape_cast %get3A_34 : vector<1x2048x1xf32> to vector<2048x1xf32>
    %add3A_36 = arith.addf %get3A_30, %get3A_35 : vector<2048x1xf32>
    %add3A_37 = arith.addf %add3A_36, %get3A_3 : vector<2048x1xf32>
    %mul3A_38 = arith.mulf %get3A_3, %add3A_37 : vector<2048x1xf32>
    %mul3A_39 = arith.constant 2048 : i32
    %mul3A_40 = arith.muli %arg0, %mul3A_39 : i32
    %iota3A = tpu.iota {dimensions = array<i32: 0>} : vector<2048x1xi32>
    %add3A_41 = vector.broadcast %mul3A_40 : i32 to vector<2048x1xi32>
    %add3A_42 = arith.addi %add3A_41, %iota3A : vector<2048x1xi32>
    %lt3A = arith.constant 10000 : i32
    %lt3A_43 = vector.broadcast %lt3A : i32 to vector<2048x1xi32>
    %lt3A_44 = arith.cmpi slt, %add3A_42, %lt3A_43 : vector<2048x1xi32>
    %jit3A = arith.constant 0.000000e+00 : f32
    %broadcast_in_dim3A = vector.broadcast %jit3A : f32 to vector<2048x1xf32>
    %select_n3A = arith.select %lt3A_44, %mul3A_38, %broadcast_in_dim3A : vector<2048x1xi1>, vector<2048x1xf32>
    %get3A_45 = arith.constant 0 : index
    %get3A_46 = arith.constant 0 : index
    %get3A_47 = vector.load %arg9[%get3A_45, %get3A_46] : memref<1x128xf32, #tpu.memory_space<vmem>>, vector<1x128xf32>
    %mul3A_48 = vector.broadcast %select_n3A : vector<2048x1xf32> to vector<2048x128xf32>
    %mul3A_49 = arith.mulf %max3A_25, %mul3A_48 : vector<2048x128xf32>
    %reduce_sum3A = arith.constant dense<0.000000e+00> : vector<128xf32>
    %reduce_sum3A_50 = vector.multi_reduction <add>, %mul3A_49, %reduce_sum3A [0] : vector<2048x128xf32> to vector<128xf32>
    %broadcast_in_dim3A_51 = vector.shape_cast %reduce_sum3A_50 : vector<128xf32> to vector<1x128xf32>
    %add3A_52 = arith.addf %get3A_47, %broadcast_in_dim3A_51 : vector<1x128xf32>
    %swap3A = arith.constant 0 : index
    %swap3A_53 = arith.constant 0 : index
    %swap3A_54 = vector.load %arg9[%swap3A, %swap3A_53] : memref<1x128xf32, #tpu.memory_space<vmem>>, vector<1x128xf32>
    tpu.vector_store %arg9[%swap3A, %swap3A_53], %add3A_52 {strides = array<i32>} : memref<1x128xf32, #tpu.memory_space<vmem>>, vector<1x128xf32>,
    %eq3A_55 = arith.constant 4 : i32
    %eq3A_56 = arith.cmpi eq, %arg0, %eq3A_55 : i32
    %convert_element_type3A_57 = arith.extui %eq3A_56 : i1 to i32
    %cond3A_58 = arith.constant 0 : i32
    %cond3A_59 = arith.cmpi ne, %convert_element_type3A_57, %cond3A_58 : i32
    scf.if %cond3A_59 {
      %get3A_60 = arith.constant 0 : index
      %get3A_61 = arith.constant 0 : index
      %get3A_62 = vector.load %arg9[%get3A_60, %get3A_61] : memref<1x128xf32, #tpu.memory_space<vmem>>, vector<1x128xf32>
      %get3A_63 = arith.constant 0 : index
      %get3A_64 = arith.constant 0 : index
      %get3A_65 = vector.load %arg6[%get3A_63, %get3A_64] : memref<128x16xf32, #tpu.memory_space<vmem>>, vector<128x16xf32>
      %dot_general3A = arith.constant dense<0.000000e+00> : vector<1x16xf32>
      %dot_general3A_66 = tpu.matmul %get3A_62, %get3A_65, %dot_general3A {dimension_numbers = #tpu.dot_dimension_numbers<[1], [0], [0], [1], [0, 0, 1, 1], [], []>, transpose_lhs_hint = false} : vector<1x128xf32>, vector<128x16xf32>, vector<1x16xf32> -> vector<1x16xf32>
      %mul3A_67 = arith.constant 9.99999974E-5 : f32
      %mul3A_68 = vector.broadcast %mul3A_67 : f32 to vector<1x16xf32>
      %mul3A_69 = arith.mulf %dot_general3A_66, %mul3A_68 : vector<1x16xf32>
      %get3A_70 = arith.constant 0 : index
      %get3A_71 = arith.constant 0 : index
      %get3A_72 = vector.load %arg7[%get3A_70, %get3A_71] : memref<1x16xf32, #tpu.memory_space<vmem>>, vector<1x16xf32>
      %add3A_73 = arith.addf %mul3A_69, %get3A_72 : vector<1x16xf32>
      %iota3A_74 = tpu.iota {dimensions = array<i32: 1>} : vector<1x16xi32>
      %lt3A_75 = arith.constant 10 : i32
      %lt3A_76 = vector.broadcast %lt3A_75 : i32 to vector<1x16xi32>
      %lt3A_77 = arith.cmpi slt, %iota3A_74, %lt3A_76 : vector<1x16xi32>
      %jit3A_78 = arith.constant -1.000000e+30 : f32
      %broadcast_in_dim3A_79 = vector.broadcast %jit3A_78 : f32 to vector<1x16xf32>
      %select_n3A_80 = arith.select %lt3A_77, %add3A_73, %broadcast_in_dim3A_79 : vector<1x16xi1>, vector<1x16xf32>
      %reduce_max3A = arith.constant dense<0xFF800000> : vector<1xf32>
      %reduce_max3A_81 = vector.multi_reduction <maximumf>, %select_n3A_80, %reduce_max3A [1] : vector<1x16xf32> to vector<1xf32>
      %broadcast_in_dim3A_82 = vector.shape_cast %reduce_max3A_81 : vector<1xf32> to vector<1x1xf32>
      %sub3A = vector.broadcast %broadcast_in_dim3A_82 : vector<1x1xf32> to vector<1x16xf32>
      %sub3A_83 = arith.subf %add3A_73, %sub3A : vector<1x16xf32>
      %exp3A = math.exp %sub3A_83 : vector<1x16xf32>
      %jit3A_84 = arith.constant 0.000000e+00 : f32
      %broadcast_in_dim3A_85 = vector.broadcast %jit3A_84 : f32 to vector<1x16xf32>
      %select_n3A_86 = arith.select %lt3A_77, %exp3A, %broadcast_in_dim3A_85 : vector<1x16xi1>, vector<1x16xf32>
      %reduce_sum3A_87 = arith.constant dense<0.000000e+00> : vector<1xf32>
      %reduce_sum3A_88 = vector.multi_reduction <add>, %select_n3A_86, %reduce_sum3A_87 [1] : vector<1x16xf32> to vector<1xf32>
      %broadcast_in_dim3A_89 = vector.shape_cast %reduce_sum3A_88 : vector<1xf32> to vector<1x1xf32>
      %log3A = math.log %broadcast_in_dim3A_89 : vector<1x1xf32>
      %sub3A_90 = vector.broadcast %broadcast_in_dim3A_82 : vector<1x1xf32> to vector<1x16xf32>
      %sub3A_91 = arith.subf %add3A_73, %sub3A_90 : vector<1x16xf32>
      %sub3A_92 = vector.broadcast %log3A : vector<1x1xf32> to vector<1x16xf32>
      %sub3A_93 = arith.subf %sub3A_91, %sub3A_92 : vector<1x16xf32>
      %swap3A_94 = arith.constant 0 : index
      %swap3A_95 = arith.constant 0 : index
      %swap3A_96 = vector.load %arg8[%swap3A_94, %swap3A_95] : memref<1x16xf32, #tpu.memory_space<vmem>>, vector<1x16xf32>
      tpu.vector_store %arg8[%swap3A_94, %swap3A_95], %sub3A_93 {strides = array<i32>} : memref<1x16xf32, #tpu.memory_space<vmem>>, vector<1x16xf32>,
    } else {
    }
    return
  }
  func.func @transform_0(%arg0: i32) -> (i32, i32, i32) {
    %c0_i32 = arith.constant 0 : i32
    %c0_i32_0 = arith.constant 0 : i32
    %c0_i32_1 = arith.constant 0 : i32
    return %c0_i32, %arg0, %c0_i32_0 : i32, i32, i32
  }
  func.func @transform_1(%arg0: i32) -> (i32, i32, i32) {
    %c0_i32 = arith.constant 0 : i32
    %c0_i32_0 = arith.constant 0 : i32
    %c0_i32_1 = arith.constant 0 : i32
    return %c0_i32, %arg0, %c0_i32_0 : i32, i32, i32
  }
  func.func @transform_2(%arg0: i32) -> (i32, i32) {
    %c0_i32 = arith.constant 0 : i32
    %c0_i32_0 = arith.constant 0 : i32
    return %arg0, %c0_i32 : i32, i32
  }
  func.func @transform_3(%arg0: i32) -> (i32, i32) {
    %c0_i32 = arith.constant 0 : i32
    %c0_i32_0 = arith.constant 0 : i32
    return %arg0, %c0_i32 : i32, i32
  }
  func.func @transform_4(%arg0: i32) -> (i32, i32) {
    %c0_i32 = arith.constant 0 : i32
    %c0_i32_0 = arith.constant 0 : i32
    %c0_i32_1 = arith.constant 0 : i32
    return %c0_i32, %c0_i32_0 : i32, i32
  }
  func.func @transform_5(%arg0: i32) -> (i32, i32) {
    %c0_i32 = arith.constant 0 : i32
    %c0_i32_0 = arith.constant 0 : i32
    %c0_i32_1 = arith.constant 0 : i32
    return %c0_i32, %c0_i32_0 : i32, i32
  }
  func.func @transform_6(%arg0: i32) -> (i32, i32) {
    %c0_i32 = arith.constant 0 : i32
    %c0_i32_0 = arith.constant 0 : i32
    %c0_i32_1 = arith.constant 0 : i32
    return %c0_i32, %c0_i32_0 : i32, i32
  }
  func.func @transform_7(%arg0: i32) -> (i32, i32) {
    %c0_i32 = arith.constant 0 : i32
    %c0_i32_0 = arith.constant 0 : i32
    %c0_i32_1 = arith.constant 0 : i32
    return %c0_i32, %c0_i32_0 : i32, i32
  }
}

</mosaic_0001>

<sc_bundles>
// kernel: kernel.10.cloned.1.call-start
scs
__scs_entry_jumppad:
0x0: {  	(pc) =	sbr.rel $0x88, $3  }
0x1: {  	(tag) =	ssettag $0x0;
	lr =	simm.s32 $0x1  }
0x2: {  	[smem:$0x3F9B] =	sst lr;
	_ =	strace $0xD0000000  }
0x3: {  	_ = 	snop  }
0x4: {  	_ = 	snop  }
0x5: {  	_ = 	snop  }
0x6: {  	_ = 	snop  }
0x7: {  	_ = 	snop  }
__scs_overlays_trampoline_lowered:
0x8: {  	[smem:$0x3FAA] =	sst s0  }
0x9: {  	[smem:$0x3FAB] =	sst s1  }
0xa: {  	[smem:$0x3FAC] =	sst s2  }
0xb: {  	[smem:$0x3FAD] =	sst s3  }
0xc: {  	[smem:$0x3FAE] =	sst s4  }
0xd: {  	[smem:$0x3FAF] =	sst s5  }
0xe: {  	[smem:$0x3FB0] =	sst s6  }
0xf: {  	[smem:$0x3FB1] =	sst s7  }
0x10: {  	[smem:$0x3FB2] =	sst s8  }
0x11: {  	[smem:$0x3FB3] =	sst s9;
	s0 =	simm.s32 @!p0 $0x0  }
0x12: {  	s1 =	sld [smem:$0x3F99];
	s0 =	simm.s32 @p0 $0x1  }
0x13: {  	[smem:$0x3FB4] =	sst s0;
	s0 =	simm.s32 @!p1 $0x0  }
0x14: {  	s2 =	sld [smem:$0x3F98];
	s0 =	simm.s32 @p1 $0x1  }
0x15: {  	[smem:$0x3FB5] =	sst s0;
	s0 =	simm.s32 @!p2 $0x0  }
0x16: {  	s3 =	sld [smem:$0x3FDB];
	s0 =	simm.s32 @p2 $0x1  }
0x17: {  	s4 =	simm.s32 $0x1BF5;
	[smem:$0x3FB7] =	sst s0  }
0x18: {  	s0 =	sld [smem:$0x3F9A];
	_ =	swait.ge [sflag:s4], $0x0  }
0x19: {  	s7 =	sld [smem:$0x3F9B]  }
0x1a: {  	s8 =	sadd.s32 $0xFFFFE003, lr  }
0x1b: {  	s9 =	sadd.s32 $0xFFFFFEF7, lr;
	s5 =	simm.s32 $0xFFFFFFFF;
	p2 =	slt.u32 s8, $0xFFFFF086  }
0x1c: {  	p1 =	slt.u32 s9, $0xF7A;
	s5 =	simm.s32 @!p2 $0x0  }
0x1d: {  	s5 =	simm.s32 @p1 $0x1;
	p0 =	seq.s32 s7, s2  }
0x1e: {  	s7 =	smul.u32 @!p0 $0xF7A, s2;
	p2 =	seq.s32 @!p0 s5, $0x0  }
0x1f: {  	s9 =	smul.u32 $0xF7A, s1;
	s8 =	simm.s32 @!p0 $0x1BF5;
	p2 =	por !p2, p0  }
0x20: {  	[sflag:s8] =	ssyncset.s32 @!p0 $0xFFFFF086;
	s6 =	sadd.s32 @!p0 s3, s7;
	s7 =	simm.s32 @!p0 $0x108  }
0x21: {  	s3 =	sadd.s32 s3, s9;
	s6 =	sadd.s32 @!p0 $0x88, s6;
	s7 =	simm.s32 @p2 $0x1082  }
0x22: {  	[simem:s7], [sflag:s8] =	dma.local @!p0 [hbm:s6], $0xF7A  }
0x23: {  	s9 =	sor.u32 $0xD0000000, s2;
	s6 =	simm.s32 $0x108;
	_ =	swait.ge @!p0 [sflag:s8], $0x0  }
0x24: {  	s3 =	sadd.s32 $0x88, s3;
	s6 =	simm.s32 @!p1 $0x1082;
	[sflag:s4] =	ssyncset.s32 $0xFFFFF086  }
0x25: {  	[simem:s6], [sflag:s4] =	dma.local [hbm:s3], $0xF7A  }
0x26: {  	[smem:$0x3F9B] =	sst s1;
	(tag) =	ssettag s2;
	_ =	strace s9  }
0x27: {  	s1 =	sld [smem:$0x3FAB]  }
0x28: {  	s2 =	sld [smem:$0x3FAC]  }
0x29: {  	s4 =	sld [smem:$0x3FAE]  }
0x2a: {  	p0 =	seq.s32 s5, $0x0;
	s5 =	sld [smem:$0x3FAF]  }
0x2b: {  	s6 =	sld [smem:$0x3FB0]  }
0x2c: {  	s7 =	sld [smem:$0x3FB1]  }
0x2d: {  	s3 =	simm.s32 $0x108;
	s8 =	sld [smem:$0x3FB2]  }
0x2e: {  	s3 =	simm.s32 @!p0 $0x1082;
	s9 =	sld [smem:$0x3FB3]  }
0x2f: {  	lr =	sadd.s32 s0, s3;
	s0 =	sld [smem:$0x3FAA]  }
0x30: {  	s3 =	sld [smem:$0x3FAD]  }
0x31: {  	[smem:$0x3FB6] =	sst s10  }
0x32: {  	s10 =	sld [smem:$0x3FB4];
	_ =	sdelay $0x3  }
0x33: {  	p0 =	seq.s32 s10, $0x1;
	s10 =	sld [smem:$0x3FB6];
	_ =	sdelay $0x3  }
0x34: {  	[smem:$0x3FB6] =	sst s10  }
0x35: {  	s10 =	sld [smem:$0x3FB5];
	_ =	sdelay $0x3  }
0x36: {  	p1 =	seq.s32 s10, $0x1;
	s10 =	sld [smem:$0x3FB6];
	_ =	sdelay $0x3  }
0x37: {  	[smem:$0x3FB6] =	sst s10  }
0x38: {  	s10 =	sld [smem:$0x3FB7]  }
0x39: {  	_ = 	snop;
	(pc) =	sbr.ind lr, $3  }
0x3a: {  	_ = 	snop  }
0x3b: {  	_ = 	snop  }
0x3c: {  	p2 =	seq.s32 s10, $0x1;
	s10 =	sld [smem:$0x3FB6]  }
0x3d: {  	_ =	shalt  }
0x3e: {  	_ =	shalt  }
0x3f: {  	_ =	shalt  }
0x40: {  	_ =	shalt  }
0x41: {  	_ =	shalt  }
0x42: {  	_ =	shalt  }
0x43: {  	_ =	shalt  }
0x44: {  	_ =	shalt  }
0x45: {  	_ =	shalt  }
0x46: {  	_ =	shalt  }
0x47: {  	_ =	shalt  }
0x48: {  	_ =	shalt  }
0x49: {  	_ =	shalt  }
0x4a: {  	_ =	shalt  }
0x4b: {  	_ =	shalt  }
0x4c: {  	_ =	shalt  }
0x4d: {  	_ =	shalt  }
0x4e: {  	_ =	shalt  }
0x4f: {  	_ =	shalt  }
0x50: {  	_ =	shalt  }
0x51: {  	_ =	shalt  }
0x52: {  	_ =	shalt  }
0x53: {  	_ =	shalt  }
0x54: {  	_ =	shalt  }
0x55: {  	_ =	shalt  }
0x56: {  	_ =	shalt  }
0x57: {  	_ =	shalt  }
0x58: {  	_ =	shalt  }
0x59: {  	_ =	shalt  }
0x5a: {  	_ =	shalt  }
0x5b: {  	_ =	shalt  }
0x5c: {  	_ =	shalt  }
0x5d: {  	_ =	shalt  }
0x5e: {  	_ =	shalt  }
0x5f: {  	_ =	shalt  }
0x60: {  	_ =	shalt  }
0x61: {  	_ =	shalt  }
0x62: {  	_ =	shalt  }
0x63: {  	_ =	shalt  }
0x64: {  	_ =	shalt  }
0x65: {  	_ =	shalt  }
0x66: {  	_ =	shalt  }
0x67: {  	_ =	shalt  }
0x68: {  	_ =	shalt  }
0x69: {  	_ =	shalt  }
0x6a: {  	_ =	shalt  }
0x6b: {  	_ =	shalt  }
0x6c: {  	_ =	shalt  }
0x6d: {  	_ =	shalt  }
0x6e: {  	_ =	shalt  }
0x6f: {  	_ =	shalt  }
0x70: {  	_ =	shalt  }
0x71: {  	_ =	shalt  }
0x72: {  	_ =	shalt  }
0x73: {  	_ =	shalt  }
0x74: {  	_ =	shalt  }
0x75: {  	_ =	shalt  }
0x76: {  	_ =	shalt  }
0x77: {  	_ =	shalt  }
0x78: {  	_ =	shalt  }
0x79: {  	_ =	shalt  }
0x7a: {  	_ =	shalt  }
0x7b: {  	_ =	shalt  }
0x7c: {  	_ =	shalt  }
0x7d: {  	_ =	shalt  }
0x7e: {  	_ =	shalt  }
0x7f: {  	_ =	shalt  }
0x80: {  	_ =	shalt  }
0x81: {  	_ =	shalt  }
0x82: {  	_ =	shalt  }
0x83: {  	_ =	shalt  }
0x84: {  	_ =	shalt  }
0x85: {  	_ =	shalt  }
0x86: {  	_ =	shalt  }
0x87: {  	_ =	shalt  }
.Lfunc_end0:
.L_simem_size_0:
called_computation.1_lowered:
.L_overlay_start_0:
0x88: {  	s2 =	sld [smem:$0x3FD9]  }
0x89: {  	s3 =	sld [smem:$0x3FFE];
	_ =	sdelay $0x1  }
0x8a: {  	s1 =	srdreg.scid  }
0x8b: {  	s0 =	sand.u32 $0x1, s1  }
0x8c: {  	s16 =	sshll.u32 s0, $0xA;
	s2 =	sadd.s32 s3, s2  }
0x8d: {  	s2 =	sadd.s32 s2, s16  }
0x8e: {  	[smem:$0x3FC2] =	sst s2  }
0x8f: {  	_ = 	snop  }
0x90: {  	(tm) =	ssettm $0x1  }
0x91: {  	s17 =	sld [smem:$0x3FFB];
	_ =	sdelay $0x3  }
0x92: {  	_ =	strace s17  }
0x93: {  	s2 =	sld [smem:$0x3FFC];
	_ =	sdelay $0x3  }
0x94: {  	_ =	strace s2  }
0x95: {  	s2 =	sld [smem:$0x3FFD];
	_ =	sdelay $0x3  }
0x96: {  	_ =	strace s2  }
0x97: {  	_ =	strace $0x8FFFFFFF  }
0x98: {  	s18 =	sld [smem:$0x3FDB];
	_ =	sdelay $0x1  }
0x99: {  	s19 =	simm.s32 $_scs_section_size  }
0x9a: {  	s4 =	simm.s32 $_size__tile_overlayer_lowered;
	s5 =	simm.s32 $_tile_overlayer_lowered  }
0x9b: {  	s22 =	simm.s32 $0x1BFF;
	s21 =	sshll.u32 s5, $0x1;
	s2 =	sadd.s32 s19, s18  }
0x9c: {  	s6 =	simm.s32 $0x0;
	s20 =	sshll.u32 s4, $0x1;
	s4 =	sadd.s32 s21, s2  }
0x9d: {  	[timem:s6], [sflag:s22] =	dma.local [hbm:s4], s20  }
0x9e: {  	_ =	swait.ge [sflag:s22], s20  }
0x9f: {  	s3 =	ssub.s32 $0x0, s20;
	[sflag:s22] =	ssyncset.done $0x0  }
0xa0: {  	[sflag:s22] =	ssyncadd.s32 s3;
	_ =	sdelay $0x1  }
0xa1: {  	s23 =	simm.s32 $0x1B8B  }
0xa2: {  	_ =	swait.ge [sflag:s23], $0x1  }
0xa3: {  	[sflag:s23] =	ssyncset.done $0x0  }
0xa4: {  	s25 =	simm.s32 $0x1B8E;
	s24 =	sld [smem:$0x3FFE];
	[sflag:s23] =	ssyncadd.s32 $0xFFFFFFFF  }
0xa5: {  	s26 =	simm.s32 $execute0_lowered;
	[smem:$0x3FD2] =	sst s25  }
0xa6: {  	s4 =	sshll.u32 s26, $0x1;
	_ =	strace $0x80000049;
	[dreg:$0x1] =	wrdreg $0xFFFFFFFF  }
0xa7: {  	s28 =	simm.s32 $_size_execute0_lowered;
	s2 =	sadd.s32 s2, s4;
	[dreg:$0x0] =	wrdreg $0x0  }
0xa8: {  	s4 =	sshll.u32 s28, $0x1;
	[dreg:$0x2] =	wrdreg s2  }
0xa9: {  	[dreg:$0x3] =	wrdreg s4  }
0xaa: {  	[dreg:$0x4] =	wrdreg $0xC0  }
0xab: {  	_ =	task [dreg:s6], $0x5FFFF  }
0xac: {  	[dreg:$0x1] =	wrdreg $0xFFFFFFFF  }
0xad: {  	[dreg:$0x0] =	wrdreg $0x60  }
0xae: {  	[dreg:$0x2] =	wrdreg s24  }
0xaf: {  	[dreg:$0x3] =	wrdreg $0x0  }
0xb0: {  	[dreg:$0x4] =	wrdreg $0x140000  }
0xb1: {  	[dreg:$0x5] =	wrdreg $0x9  }
0xb2: {  	_ =	task.clear_ibuf [dreg:s6], $0x6FFFF;
	_ =	strace $0x90000049  }
0xb3: {  	s29 =	simm.s32 $0x9;
	_ =	strace $0x8000004B  }
0xb4: {  	_ =	swait.ge [sflag:s29], $0x1  }
0xb5: {  	[sflag:s29] =	ssyncadd.s32 $0xFFFFFFFF  }
0xb6: {  	_ =	strace $0x9000004B  }
0xb7: {  	_ =	sfence  }
0xb8: {  	s30 =	sld [smem:$0x0];
	_ =	sdelay $0x2  }
0xb9: {  	s31 =	sshll.u32 s1, $0xD;
	s1 =	sshrl.u32 s1, $0x2  }
0xba: {  	s3 =	sand.u32 $0x4000, s31;
	s1 =	sadd.s32 s1, s30  }
0xbb: {  	s0 =	sor.u32 s3, s0;
	s1 =	sshll.u32 s1, $0x11  }
0xbc: {  	s0 =	sor.u32 s1, s0  }
0xbd: {  	s0 =	sadd.s32 $0x8F2B, s0  }
0xbe: {  	[sflag:s0] =	ssyncadd.remote.s32 $0x1  }
0xbf: {  	_ =	sfence.sel $0xFFFF  }
0xc0: {  	[dreg:$0x0] =	wrdreg $0xFFFFFFFF;
	(pc) =	sbr.abs _section_cstart, $3  }
0xc1: {  	[dreg:$0x1] =	wrdreg $0xFFFFFFFF  }
0xc2: {  	_ =	task.clear_ibuf [dreg:s6], $0x2FFFF;
	_ =	strace $0x9FFFFFFF  }
0xc3: {  	(tm) =	ssettm $0x7FFFFFFF  }
tec
execute0_lowered:
.L_overlay_start_1:
0x0: {  	(tag) =	ssettag $0x1  }
0x1: {  	s0 =	rddreg [dreg:$0x0]  }
0x2: {  	s2 =	rddreg [dreg:$0x1];
	s18 =	stileid.u32  }
0x3: {  	s1 =	srdreg.scid;
	s7 =	smul.u32 $0x14000, s18  }
0x4: {  	s3 =	rddreg [dreg:$0x2];
	s4 =	simm.s32 $0x0;
	s8 =	smul.u32 $0x2800, s18  }
0x5: {  	s31 =	simm.s32 $0x16800;
	s1 =	sand.u32 $0x1, s1;
	s13 =	smul.u32 $0x280, s18  }
0x6: {  	[smem:$0x7FF] =	sst s4;
	s10 =	sadd.s32 $0x2400, s0;
	s5 =	smul.u32 $0x140000, s1  }
0x7: {  	_ =	strace $0x8000004A;
	s9 =	smul.u32 $0x28000, s1;
	s12 =	ssub.s32 $0x2, s1  }
0x8: {  	s15 =	sshll.u32 s1, $0x4;
	s1 =	smul.u32 $0x4E0, s1;
	s14 =	sshrl.u32 s12, $0x1  }
0x9: {  	s24 =	sadd.s32 $0x80, s13;
	s25 =	sadd.s32 $0x100, s13;
	s17 =	sadd.s32 $0x180, s13  }
0xa: {  	s13 =	sadd.s32 $0x200, s13;
	s6 =	sadd.s32 s7, s5;
	s5 =	sadd.s32 $0x15E00, s0  }
0xb: {  	s9 =	sadd.s32 s8, s9;
	s12 =	ssub.s32 s12, s14;
	s14 =	sor.u32 s18, s15  }
0xc: {  	s7 =	sadd.s32 s7, s2;
	s8 =	sadd.s32 s8, s3;
	s16 =	sshll.u32 s24, $0x7  }
0xd: {  	s15 =	sshll.u32 s24, $0x4;
	s26 =	sshll.u32 s25, $0x7;
	s18 =	smul.u32 $0x4E, s18  }
0xe: {  	s19 =	sshll.u32 s17, $0x7;
	s20 =	sshll.u32 s17, $0x4;
	s24 =	sshll.u32 s13, $0x7  }
0xf: {  	s13 =	sshll.u32 s13, $0x4;
	s11 =	sshrl.u32 s6, $0x3;
	s6 =	sadd.s32 $0x3DE00, s0  }
0x10: {  	s9 =	sshrl.u32 s9, $0x3;
	s16 =	sadd.s32 s16, s2;
	s15 =	sadd.s32 s15, s3  }
0x11: {  	s21 =	smin.u32 s14, $0x4;
	s22 =	sadd.s32 s20, s3;
	s23 =	smul.u32 $0x4E, s14  }
0x12: {  	p0 =	slt.u32 s14, $0x4;
	s20 =	sadd.s32 s24, s2;
	[dreg:$0x8] =	wrdreg s16  }
0x13: {  	s28 =	smax.u32 s12, $0x1;
	s12 =	simm.s32 $0x80;
	[dreg:$0x9] =	wrdreg s15  }
0x14: {  	s11 =	sadd.s32 s11, s0;
	s9 =	sadd.s32 s9, s0;
	[dreg:$0xd] =	wrdreg s22  }
0x15: {  	s16 =	sshll.u32 s25, $0x4;
	s15 =	sadd.s32 s26, s2;
	[dreg:$0xf] =	wrdreg s20  }
0x16: {  	s1 =	sadd.s32 s18, s1;
	s22 =	sadd.s32 s13, s3;
	[dreg:$0xa] =	wrdreg s15  }
0x17: {  	s18 =	simm.s32 $0x4F;
	s16 =	sadd.s32 s16, s3;
	[dreg:$0x10] =	wrdreg s22  }
0x18: {  	s15 =	sadd.s32 s19, s2;
	s1 =	sadd.s32 s21, s1;
	[dreg:$0xb] =	wrdreg s16  }
0x19: {  	s26 =	sadd.s32 s21, s23;
	s18 =	simm.s32 @!p0 $0x4E;
	[dreg:$0xc] =	wrdreg s15  }
0x1a: {  	s1 =	sshll.u32 s1, $0x4;
	s20 =	sshll.u32 s26, $0x4;
	s26 =	sadd.s32 $0x42E00, s9  }
0x1b: {  	s29 =	sadd.s32 $0xFFFFFFFF, s18;
	s25 =	sadd.s32 $0x20, s1;
	[dreg:$0x14] =	wrdreg s26  }
0x1c: {  	s30 =	sadd.s32 $0xFFFFFFFE, s18;
	s23 =	sadd.s32 s10, s20;
	[dreg:$0xe] =	wrdreg s25  }
0x1d: {  	s16 =	sadd.s32 $0x30, s1;
	s19 =	sadd.s32 s10, s25;
	[dreg:$0x11] =	wrdreg s23  }
0x1e: {  	s1 =	simm.s32 $0x7;
	s21 =	sadd.s32 s16, s10;
	[dreg:$0x4] =	wrdreg s19  }
0x1f: {  	s23 =	sadd.s32 $0x10, s20;
	s25 =	sadd.s32 $0x4CE00, s11;
	[dreg:$0x6] =	wrdreg s21  }
0x20: {  	s11 =	simm.s32 $0x1;
	s24 =	sadd.s32 s10, s23;
	[dreg:$0x13] =	wrdreg s25  }
0x21: {  	v0 =	vimm.f32 $0.0e+00;
	s21 =	sadd.s32 $0xC040, s0;
	s0 =	simm.s32 $0x1E800;
	[dreg:$0x12] =	wrdreg s24  }
.LBB2_1:
0x22: {  	s13 =	simm.s32 $0x16840  }
0x23: {  	[tilespmem:s13+$0xFFFFFFD0] =	vst v0  }
0x24: {  	[tilespmem:s13+$0xFFFFFFE0] =	vst v0  }
0x25: {  	[tilespmem:s13+$0xFFFFFFF0] =	vst v0  }
0x26: {  	[tilespmem:s13+$0x0] =	vst v0  }
0x27: {  	[tilespmem:s13+$0x10] =	vst v0  }
0x28: {  	[tilespmem:s13+$0x20] =	vst v0  }
0x29: {  	[tilespmem:s13+$0x30] =	vst v0  }
0x2a: {  	s17 =	simm.s32 $0x0;
	s14 =	simm.s32 $0x40;
	[tilespmem:s13+$0xFFFFFFC0] =	vst v0  }
.LBB2_2:
0x2b: {  	p0 =	sne.s32 s14, $0x1FC0;
	[tilespmem:s17+$0x1E800] =	vst v0;
	s13 =	sadd.s32 $0x80, s13  }
0x2c: {  	[tilespmem:s13+$0xFFFFFFD0] =	vst v0  }
0x2d: {  	[tilespmem:s13+$0xFFFFFFE0] =	vst v0  }
0x2e: {  	[tilespmem:s13+$0xFFFFFFF0] =	vst v0  }
.Ltmp0:
0x2f: {  	[tilespmem:s13+$0x0] =	vst v0;
	(pc) =	sbr.rel @p0 .LBB2_2-.Ltmp0, $4  }
0x30: {  	[tilespmem:s13+$0x10] =	vst v0  }
0x31: {  	[tilespmem:s13+$0x20] =	vst v0  }
0x32: {  	[tilespmem:s13+$0x30] =	vst v0  }
0x33: {  	s17 =	sshra.s32 s14, $0x2;
	s14 =	sadd.s32 $0x40, s14;
	[tilespmem:s13+$0xFFFFFFC0] =	vst v0  }
0x34: {  	[tilespmem:s17+$0x1E800] =	vst v0  }
0x35: {  	[spmem:s7] =	stream.linear.scatter [tilespmem:s31], [sflag:$0x7], $0x4000, $0x38;
	[tilespmem:$0x1FA00] =	vst v63  }
0x36: {  	_ =	swait.ge [sflag:s1], $0x4000  }
0x37: {  	[sflag:s1] =	ssyncset.done $0x0  }
0x38: {  	[sflag:s1] =	ssyncadd.s32 $0xFFFFC000  }
0x39: {  	[spmem:s8] =	stream.linear.scatter [tilespmem:s0], [sflag:$0x7], $0x800, $0x38;
	[tilespmem:$0x1FA00] =	vst v63  }
0x3a: {  	_ =	swait.ge [sflag:s1], $0x800  }
0x3b: {  	[sflag:s1] =	ssyncset.done $0x0  }
0x3c: {  	s9 =	rddreg [dreg:$0x8];
	[sflag:s1] =	ssyncadd.s32 $0xFFFFF800  }
0x3d: {  	[spmem:s9] =	stream.linear.scatter [tilespmem:s31], [sflag:$0x7], $0x4000, $0x38;
	[tilespmem:$0x1FA00] =	vst v63  }
0x3e: {  	_ =	swait.ge [sflag:s1], $0x4000  }
0x3f: {  	[sflag:s1] =	ssyncset.done $0x0  }
0x40: {  	s14 =	rddreg [dreg:$0x9];
	[sflag:s1] =	ssyncadd.s32 $0xFFFFC000  }
0x41: {  	[spmem:s14] =	stream.linear.scatter [tilespmem:s0], [sflag:$0x7], $0x800, $0x38;
	[tilespmem:$0x1FA00] =	vst v63  }
0x42: {  	_ =	swait.ge [sflag:s1], $0x800  }
0x43: {  	[sflag:s1] =	ssyncset.done $0x0  }
0x44: {  	s15 =	rddreg [dreg:$0xa];
	[sflag:s1] =	ssyncadd.s32 $0xFFFFF800  }
0x45: {  	[spmem:s15] =	stream.linear.scatter [tilespmem:s31], [sflag:$0x7], $0x4000, $0x38;
	[tilespmem:$0x1FA00] =	vst v63  }
0x46: {  	_ =	swait.ge [sflag:s1], $0x4000  }
0x47: {  	[sflag:s1] =	ssyncset.done $0x0  }
0x48: {  	s17 =	rddreg [dreg:$0xb];
	[sflag:s1] =	ssyncadd.s32 $0xFFFFC000  }
0x49: {  	[spmem:s17] =	stream.linear.scatter [tilespmem:s0], [sflag:$0x7], $0x800, $0x38;
	[tilespmem:$0x1FA00] =	vst v63  }
0x4a: {  	_ =	swait.ge [sflag:s1], $0x800  }
0x4b: {  	[sflag:s1] =	ssyncset.done $0x0  }
0x4c: {  	s19 =	rddreg [dreg:$0xc];
	[sflag:s1] =	ssyncadd.s32 $0xFFFFF800  }
0x4d: {  	[spmem:s19] =	stream.linear.scatter [tilespmem:s31], [sflag:$0x7], $0x4000, $0x38;
	[tilespmem:$0x1FA00] =	vst v63  }
0x4e: {  	_ =	swait.ge [sflag:s1], $0x4000  }
0x4f: {  	[sflag:s1] =	ssyncset.done $0x0  }
0x50: {  	s22 =	rddreg [dreg:$0xd];
	[sflag:s1] =	ssyncadd.s32 $0xFFFFC000  }
0x51: {  	[spmem:s22] =	stream.linear.scatter [tilespmem:s0], [sflag:$0x7], $0x800, $0x38;
	[tilespmem:$0x1FA00] =	vst v63  }
0x52: {  	_ =	swait.ge [sflag:s1], $0x800  }
0x53: {  	[sflag:s1] =	ssyncset.done $0x0  }
0x54: {  	s24 =	rddreg [dreg:$0xf];
	[sflag:s1] =	ssyncadd.s32 $0xFFFFF800  }
0x55: {  	[spmem:s24] =	stream.linear.scatter [tilespmem:s31], [sflag:$0x7], $0x4000, $0x38;
	[tilespmem:$0x1FA00] =	vst v63  }
0x56: {  	_ =	swait.ge [sflag:s1], $0x4000  }
0x57: {  	[sflag:s1] =	ssyncset.done $0x0  }
0x58: {  	s25 =	rddreg [dreg:$0x10];
	[sflag:s1] =	ssyncadd.s32 $0xFFFFC000  }
0x59: {  	[spmem:s25] =	stream.linear.scatter [tilespmem:s0], [sflag:$0x7], $0x800, $0x38;
	[tilespmem:$0x1FA00] =	vst v63  }
0x5a: {  	_ =	swait.ge [sflag:s1], $0x800  }
0x5b: {  	[sflag:s1] =	ssyncset.done $0x0  }
0x5c: {  	[sflag:s1] =	ssyncadd.s32 $0xFFFFF800  }
0x5d: {  	[bflag:$0x0] =	sbarrier.arrive $0xFFFF  }
0x5e: {  	s13 =	simm.s32 $0x0;
	s10 =	simm.s32 $0x1F800;
	s26 =	rddreg [dreg:$0x11]  }
0x5f: {  	[tilespmem:s10], [sflag:$0x1] =	stream.linear.gather [hbm4b:s26+s13], $0x80, $0x38;
	[tilespmem:$0x1FA00] =	vst v63  }
0x60: {  	s14 =	sadd.s32 s20, s21;
	s15 =	simm.s32 $0x1F900  }
0x61: {  	[tilespmem:s15], [sflag:$0x1] =	stream.linear.gather [hbm4b:s14+s13], $0x80, $0x38;
	[tilespmem:$0x1FA00] =	vst v63  }
0x62: {  	s17 =	simm.s32 $0x1F880;
	s14 =	rddreg [dreg:$0x12]  }
0x63: {  	[tilespmem:s17], [sflag:$0x2] =	stream.linear.gather [hbm4b:s14+s13], $0x80, $0x38;
	[tilespmem:$0x1FA00] =	vst v63  }
0x64: {  	s19 =	sadd.s32 s23, s21;
	s22 =	simm.s32 $0x1F980  }
0x65: {  	[tilespmem:s22], [sflag:$0x2] =	stream.linear.gather [hbm4b:s19+s13], $0x80, $0x38;
	[tilespmem:$0x1FA00] =	vst v63  }
0x66: {  	_ =	swait.ge [sflag:s11], $0x80  }
0x67: {  	p0 =	sle.u32 s18, $0x0;
	[sflag:s11] =	ssyncset.done $0x0  }
0x68: {  	p1 =	sle.u32 @!p0 s29, $0x0;
	[sflag:s11] =	ssyncadd.s32 $0xFFFFFF80  }
0x69: {  	p1 =	por p1, p0;
	_ =	swait.ge [sflag:s11], $0x80  }
0x6a: {  	s26 =	sadd.s32 s21, s16;
	[sflag:s11] =	ssyncset.done $0x0;
	s24 =	rddreg [dreg:$0xe]  }
0x6b: {  	[dreg:$0x7] =	wrdreg s26;
	[sflag:s11] =	ssyncadd.s32 $0xFFFFFF80;
	s25 =	sadd.s32 s21, s24  }
0x6c: {  	[tilespmem:s31], [sflag:$0x3] =	stream.indirect.gather [hbm4b:s5+s12], $0x80, s10, s12, $0xb8;
	[tilespmem:$0x1FA00] =	vst v63  }
0x6d: {  	s14 =	simm.s32 @!p1 $0x2;
	[dreg:$0x5] =	wrdreg s25  }
0x6e: {  	[tilespmem:s0], [sflag:$0x5] =	stream.indirect.gather [hbm4b:s6+s12], $0x10, s15, s12, $0xb8;
	[tilespmem:$0x1FA00] =	vst v63  }
0x6f: {  	_ =	swait.ge @!p1 [sflag:s14], $0x80  }
0x70: {  	[sflag:s14] =	ssyncset.done @!p1 $0x0  }
0x71: {  	[sflag:s14] =	ssyncadd.s32 @!p1 $0xFFFFFF80  }
0x72: {  	_ =	swait.ge @!p1 [sflag:s14], $0x80  }
0x73: {  	s17 =	simm.s32 @!p1 $0x1A800;
	[sflag:s14] =	ssyncset.done @!p1 $0x0  }
0x74: {  	s19 =	simm.s32 @!p1 $0x80;
	s22 =	simm.s32 @!p1 $0x1F880;
	[sflag:s14] =	ssyncadd.s32 @!p1 $0xFFFFFF80  }
0x75: {  	[tilespmem:s17], [sflag:$0x4] =	stream.indirect.gather @!p1 [hbm4b:s5+s19], $0x80, s22, s19, $0xb8;
	[tilespmem:$0x1FA00] =	vst v63  }
0x76: {  	s14 =	simm.s32 @!p1 $0x1F980;
	s17 =	simm.s32 @!p1 $0x1F000;
	s22 =	simm.s32 @!p0 $0x3  }
0x77: {  	[tilespmem:s17], [sflag:$0x6] =	stream.indirect.gather @!p1 [hbm4b:s6+s19], $0x10, s14, s19, $0xb8;
	[tilespmem:$0x1FA00] =	vst v63  }
0x78: {  	_ =	swait.ge @!p0 [sflag:s22], $0x4000  }
0x79: {  	s14 =	simm.s32 @!p0 $0x16800;
	s17 =	simm.s32 @!p0 $0x7;
	[sflag:s22] =	ssyncset.done @!p0 $0x0  }
0x7a: {  	s19 =	simm.s32 @!p0 $0x80;
	[sflag:s22] =	ssyncadd.s32 @!p0 $0xFFFFC000;
	s22 =	simm.s32 @!p0 $0x1F900  }
0x7b: {  	[spmem:s2] =	stream.indirect.scatter.add.f32 @!p0 [tilespmem:s14], [sflag:$0x7], $0x80, s22, s19, $0xb8;
	[tilespmem:$0x1FA00] =	vst v63  }
0x7c: {  	_ =	swait.ge @!p0 [sflag:s17], $0x4000  }
0x7d: {  	[sflag:s17] =	ssyncset.done @!p0 $0x0  }
0x7e: {  	s14 =	simm.s32 @!p0 $0x5;
	[sflag:s17] =	ssyncadd.s32 @!p0 $0xFFFFC000  }
0x7f: {  	_ =	swait.ge @!p0 [sflag:s14], $0x800  }
0x80: {  	p1 =	sle.u32 @!p0 s30, $0x0;
	[sflag:s14] =	ssyncset.done @!p0 $0x0  }
0x81: {  	s22 =	simm.s32 @!p0 $0x1F800;
	[sflag:s14] =	ssyncadd.s32 @!p0 $0xFFFFF800;
	s14 =	simm.s32 @!p0 $0x1E800  }
0x82: {  	[spmem:s3] =	stream.indirect.scatter.add.f32 @!p0 [tilespmem:s14], [sflag:$0x7], $0x10, s22, s19, $0xb8;
	[tilespmem:$0x1FA00] =	vst v63  }
0x83: {  	p2 =	por p1, p0;
	p1 =	sle.u32 s18, $0x1;
	_ =	swait.ge @!p0 [sflag:s17], $0x800  }
0x84: {  	p3 =	sle.u32 @!p1 s29, $0x1;
	s14 =	rddreg [dreg:$0x4];
	[sflag:s17] =	ssyncset.done @!p0 $0x0  }
0x85: {  	s19 =	simm.s32 @!p2 $0x0;
	s22 =	rddreg [dreg:$0x5];
	[sflag:s17] =	ssyncadd.s32 @!p0 $0xFFFFF800  }
0x86: {  	s17 =	simm.s32 @!p2 $0x1F800;
	p0 =	por p3, p1;
	s14 =	sadd.s32 @!p2 $0x0, s14  }
0x87: {  	[tilespmem:s17], [sflag:$0x1] =	stream.linear.gather @!p2 [hbm4b:s14+s19], $0x80, $0x38;
	[tilespmem:$0x1FA00] =	vst v63  }
0x88: {  	s14 =	simm.s32 @!p2 $0x1F900;
	s17 =	sadd.s32 @!p2 $0x0, s22;
	s22 =	simm.s32 @!p0 $0x1  }
0x89: {  	[tilespmem:s14], [sflag:$0x1] =	stream.linear.gather @!p2 [hbm4b:s17+s19], $0x80, $0x38;
	[tilespmem:$0x1FA00] =	vst v63  }
0x8a: {  	_ =	swait.ge @!p0 [sflag:s22], $0x80  }
0x8b: {  	[sflag:s22] =	ssyncset.done @!p0 $0x0  }
0x8c: {  	[sflag:s22] =	ssyncadd.s32 @!p0 $0xFFFFFF80  }
0x8d: {  	_ =	swait.ge @!p0 [sflag:s22], $0x80  }
0x8e: {  	s14 =	simm.s32 @!p0 $0x16800;
	[sflag:s22] =	ssyncset.done @!p0 $0x0  }
0x8f: {  	s17 =	simm.s32 @!p0 $0x80;
	s19 =	simm.s32 @!p0 $0x1F800;
	[sflag:s22] =	ssyncadd.s32 @!p0 $0xFFFFFF80  }
0x90: {  	[tilespmem:s14], [sflag:$0x3] =	stream.indirect.gather @!p0 [hbm4b:s5+s17], $0x80, s19, s17, $0xb8;
	[tilespmem:$0x1FA00] =	vst v63  }
0x91: {  	s22 =	simm.s32 @!p0 $0x1E800;
	s14 =	simm.s32 @!p1 $0x4;
	s19 =	simm.s32 @!p0 $0x1F900  }
0x92: {  	[tilespmem:s22], [sflag:$0x5] =	stream.indirect.gather @!p0 [hbm4b:s6+s17], $0x10, s19, s17, $0xb8;
	[tilespmem:$0x1FA00] =	vst v63  }
0x93: {  	_ =	swait.ge @!p1 [sflag:s14], $0x4000  }
0x94: {  	s22 =	simm.s32 @!p1 $0x7;
	s17 =	simm.s32 @!p1 $0x1A800;
	[sflag:s14] =	ssyncset.done @!p1 $0x0  }
0x95: {  	s19 =	simm.s32 @!p1 $0x1F980;
	[sflag:s14] =	ssyncadd.s32 @!p1 $0xFFFFC000;
	s14 =	simm.s32 @!p1 $0x80  }
0x96: {  	[spmem:s2] =	stream.indirect.scatter.add.f32 @!p1 [tilespmem:s17], [sflag:$0x7], $0x80, s19, s14, $0xb8;
	[tilespmem:$0x1FA00] =	vst v63  }
0x97: {  	_ =	swait.ge @!p1 [sflag:s22], $0x4000  }
0x98: {  	[sflag:s22] =	ssyncset.done @!p1 $0x0  }
0x99: {  	s17 =	simm.s32 @!p1 $0x6;
	[sflag:s22] =	ssyncadd.s32 @!p1 $0xFFFFC000  }
0x9a: {  	_ =	swait.ge @!p1 [sflag:s17], $0x800  }
0x9b: {  	p0 =	sle.u32 s18, $0x2;
	[sflag:s17] =	ssyncset.done @!p1 $0x0  }
0x9c: {  	s19 =	simm.s32 @!p1 $0x1F880;
	[sflag:s17] =	ssyncadd.s32 @!p1 $0xFFFFF800;
	s17 =	simm.s32 @!p1 $0x1F000  }
0x9d: {  	[spmem:s3] =	stream.indirect.scatter.add.f32 @!p1 [tilespmem:s17], [sflag:$0x7], $0x10, s19, s14, $0xb8;
	[tilespmem:$0x1FA00] =	vst v63  }
0x9e: {  	p3 =	sle.u32 @!p1 s30, $0x1;
	p4 =	sle.u32 @!p0 s29, $0x2;
	s14 =	simm.s32 $0x20  }
0x9f: {  	s19 =	simm.s32 $0x40;
	s17 =	simm.s32 $0x2;
	_ =	swait.ge @!p1 [sflag:s22], $0x800  }
.LBB2_4:
0xa0: {  	p4 =	por p4, p0;
	s24 =	rddreg [dreg:$0x6];
	p3 =	por p3, p1  }
0xa1: {  	[sflag:s22] =	ssyncset.done @!p1 $0x0;
	s25 =	rddreg [dreg:$0x7];
	s26 =	simm.s32 @!p3 $0x0  }
0xa2: {  	[sflag:s22] =	ssyncadd.s32 @!p1 $0xFFFFF800;
	s22 =	sadd.s32 @!p3 s13, s24;
	s24 =	simm.s32 @!p3 $0x1F880  }
0xa3: {  	[tilespmem:s24], [sflag:$0x2] =	stream.linear.gather @!p3 [hbm4b:s22+s26], $0x80, $0x38;
	[tilespmem:$0x1FA00] =	vst v63  }
0xa4: {  	s9 =	simm.s32 @!p4 $0x2;
	s10 =	simm.s32 @!p3 $0x1F980;
	s22 =	sadd.s32 @!p3 s13, s25  }
0xa5: {  	[tilespmem:s10], [sflag:$0x2] =	stream.linear.gather @!p3 [hbm4b:s22+s26], $0x80, $0x38;
	[tilespmem:$0x1FA00] =	vst v63  }
0xa6: {  	_ =	swait.ge @!p4 [sflag:s9], $0x80  }
0xa7: {  	[sflag:s9] =	ssyncset.done @!p4 $0x0  }
0xa8: {  	[sflag:s9] =	ssyncadd.s32 @!p4 $0xFFFFFF80  }
0xa9: {  	s15 =	smov.u32 s19;
	s13 =	smov.u32 s14;
	_ =	swait.ge @!p4 [sflag:s9], $0x80  }
0xaa: {  	s14 =	smov.u32 s15;
	s15 =	simm.s32 @!p4 $0x80;
	[sflag:s9] =	ssyncset.done @!p4 $0x0  }
0xab: {  	s10 =	simm.s32 @!p4 $0x1A800;
	s22 =	simm.s32 @!p4 $0x1F880;
	[sflag:s9] =	ssyncadd.s32 @!p4 $0xFFFFFF80  }
0xac: {  	[tilespmem:s10], [sflag:$0x4] =	stream.indirect.gather @!p4 [hbm4b:s5+s15], $0x80, s22, s15, $0xb8;
	[tilespmem:$0x1FA00] =	vst v63  }
0xad: {  	s24 =	simm.s32 @!p4 $0x1F980;
	s25 =	simm.s32 @!p4 $0x1F000;
	s9 =	simm.s32 @!p0 $0x3  }
0xae: {  	[tilespmem:s25], [sflag:$0x6] =	stream.indirect.gather @!p4 [hbm4b:s6+s15], $0x10, s24, s15, $0xb8;
	[tilespmem:$0x1FA00] =	vst v63  }
0xaf: {  	_ =	swait.ge @!p0 [sflag:s9], $0x4000  }
0xb0: {  	s10 =	simm.s32 @!p0 $0x16800;
	s22 =	simm.s32 @!p0 $0x1F900;
	[sflag:s9] =	ssyncset.done @!p0 $0x0  }
0xb1: {  	s15 =	simm.s32 @!p0 $0x7;
	[sflag:s9] =	ssyncadd.s32 @!p0 $0xFFFFC000;
	s9 =	simm.s32 @!p0 $0x80  }
0xb2: {  	[spmem:s2] =	stream.indirect.scatter.add.f32 @!p0 [tilespmem:s10], [sflag:$0x7], $0x80, s22, s9, $0xb8;
	[tilespmem:$0x1FA00] =	vst v63  }
0xb3: {  	_ =	swait.ge @!p0 [sflag:s15], $0x4000  }
0xb4: {  	[sflag:s15] =	ssyncset.done @!p0 $0x0  }
0xb5: {  	s10 =	simm.s32 @!p0 $0x5;
	[sflag:s15] =	ssyncadd.s32 @!p0 $0xFFFFC000  }
0xb6: {  	_ =	swait.ge @!p0 [sflag:s10], $0x800  }
0xb7: {  	p1 =	sge.u32 @!p0 s17, s30;
	[sflag:s10] =	ssyncset.done @!p0 $0x0  }
0xb8: {  	s24 =	simm.s32 @!p0 $0x1E800;
	s22 =	simm.s32 @!p0 $0x1F800;
	[sflag:s10] =	ssyncadd.s32 @!p0 $0xFFFFF800  }
0xb9: {  	[spmem:s3] =	stream.indirect.scatter.add.f32 @!p0 [tilespmem:s24], [sflag:$0x7], $0x10, s22, s9, $0xb8;
	[tilespmem:$0x1FA00] =	vst v63  }
0xba: {  	p5 =	por p1, p0;
	_ =	swait.ge @!p0 [sflag:s15], $0x800  }
0xbb: {  	s25 =	simm.s32 @!p5 $0x1F800;
	s22 =	sadd.s32 $0x1, s17;
	s10 =	rddreg [dreg:$0x5]  }
0xbc: {  	s9 =	simm.s32 @!p5 $0x0;
	p1 =	sge.u32 s22, s18;
	s24 =	rddreg [dreg:$0x4]  }
0xbd: {  	p4 =	sge.u32 @!p1 s22, s29;
	p3 =	sge.u32 @!p1 s22, s30;
	[sflag:s15] =	ssyncset.done @!p0 $0x0  }
0xbe: {  	p4 =	por p4, p1;
	[sflag:s15] =	ssyncadd.s32 @!p0 $0xFFFFF800;
	s15 =	sadd.s32 @!p5 s13, s24  }
0xbf: {  	[tilespmem:s25], [sflag:$0x1] =	stream.linear.gather @!p5 [hbm4b:s15+s9], $0x80, $0x38;
	[tilespmem:$0x1FA00] =	vst v63  }
0xc0: {  	s22 =	simm.s32 @!p5 $0x1F900;
	s10 =	sadd.s32 @!p5 s13, s10;
	s15 =	simm.s32 @!p4 $0x1  }
0xc1: {  	[tilespmem:s22], [sflag:$0x1] =	stream.linear.gather @!p5 [hbm4b:s10+s9], $0x80, $0x38;
	[tilespmem:$0x1FA00] =	vst v63  }
0xc2: {  	_ =	swait.ge @!p4 [sflag:s15], $0x80  }
0xc3: {  	[sflag:s15] =	ssyncset.done @!p4 $0x0  }
0xc4: {  	[sflag:s15] =	ssyncadd.s32 @!p4 $0xFFFFFF80  }
0xc5: {  	_ =	swait.ge @!p4 [sflag:s15], $0x80  }
0xc6: {  	s9 =	simm.s32 @!p4 $0x16800;
	[sflag:s15] =	ssyncset.done @!p4 $0x0  }
0xc7: {  	s10 =	simm.s32 @!p4 $0x80;
	s22 =	simm.s32 @!p4 $0x1F800;
	[sflag:s15] =	ssyncadd.s32 @!p4 $0xFFFFFF80  }
0xc8: {  	[tilespmem:s9], [sflag:$0x3] =	stream.indirect.gather @!p4 [hbm4b:s5+s10], $0x80, s22, s10, $0xb8;
	[tilespmem:$0x1FA00] =	vst v63  }
0xc9: {  	s24 =	simm.s32 @!p1 $0x4;
	s25 =	simm.s32 @!p4 $0x1F900;
	s26 =	simm.s32 @!p4 $0x1E800  }
0xca: {  	[tilespmem:s26], [sflag:$0x5] =	stream.indirect.gather @!p4 [hbm4b:s6+s10], $0x10, s25, s10, $0xb8;
	[tilespmem:$0x1FA00] =	vst v63  }
0xcb: {  	_ =	swait.ge @!p1 [sflag:s24], $0x4000  }
0xcc: {  	s15 =	simm.s32 @!p1 $0x1F980;
	s22 =	simm.s32 @!p1 $0x7;
	[sflag:s24] =	ssyncset.done @!p1 $0x0  }
0xcd: {  	s9 =	simm.s32 @!p1 $0x1A800;
	s10 =	simm.s32 @!p1 $0x80;
	[sflag:s24] =	ssyncadd.s32 @!p1 $0xFFFFC000  }
0xce: {  	[spmem:s2] =	stream.indirect.scatter.add.f32 @!p1 [tilespmem:s9], [sflag:$0x7], $0x80, s15, s10, $0xb8;
	[tilespmem:$0x1FA00] =	vst v63  }
0xcf: {  	_ =	swait.ge @!p1 [sflag:s22], $0x4000  }
0xd0: {  	s19 =	sadd.s32 $0x20, s19;
	[sflag:s22] =	ssyncset.done @!p1 $0x0  }
0xd1: {  	p2 =	sne.s32 s19, $0x500;
	s9 =	simm.s32 @!p1 $0x6;
	[sflag:s22] =	ssyncadd.s32 @!p1 $0xFFFFC000  }
.Ltmp1:
0xd2: {  	s17 =	sadd.s32 $0x2, s17;
	_ =	swait.ge @!p1 [sflag:s9], $0x800;
	(pc) =	sbr.rel @p2 .LBB2_4-.Ltmp1, $4  }
0xd3: {  	p0 =	sge.u32 s17, s18;
	[sflag:s9] =	ssyncset.done @!p1 $0x0  }
0xd4: {  	s24 =	simm.s32 @!p1 $0x1F000;
	s15 =	simm.s32 @!p1 $0x1F880;
	[sflag:s9] =	ssyncadd.s32 @!p1 $0xFFFFF800  }
0xd5: {  	[spmem:s3] =	stream.indirect.scatter.add.f32 @!p1 [tilespmem:s24], [sflag:$0x7], $0x10, s15, s10, $0xb8;
	[tilespmem:$0x1FA00] =	vst v63  }
0xd6: {  	p4 =	sge.u32 @!p0 s17, s29;
	_ =	swait.ge @!p1 [sflag:s22], $0x800  }
0xd7: {  	s9 =	rddreg [dreg:$0x6];
	p2 =	por p4, p0;
	p3 =	por p3, p1  }
0xd8: {  	[sflag:s22] =	ssyncset.done @!p1 $0x0;
	s10 =	rddreg [dreg:$0x7];
	s15 =	simm.s32 @!p3 $0x0  }
0xd9: {  	[sflag:s22] =	ssyncadd.s32 @!p1 $0xFFFFF800;
	s9 =	sadd.s32 @!p3 s13, s9;
	s19 =	simm.s32 @!p3 $0x1F880  }
0xda: {  	[tilespmem:s19], [sflag:$0x2] =	stream.linear.gather @!p3 [hbm4b:s9+s15], $0x80, $0x38;
	[tilespmem:$0x1FA00] =	vst v63  }
0xdb: {  	s10 =	sadd.s32 @!p3 s13, s10;
	s9 =	simm.s32 @!p2 $0x2;
	s19 =	simm.s32 @!p3 $0x1F980  }
0xdc: {  	[tilespmem:s19], [sflag:$0x2] =	stream.linear.gather @!p3 [hbm4b:s10+s15], $0x80, $0x38;
	[tilespmem:$0x1FA00] =	vst v63  }
0xdd: {  	_ =	swait.ge @!p2 [sflag:s9], $0x80  }
0xde: {  	[sflag:s9] =	ssyncset.done @!p2 $0x0  }
0xdf: {  	[sflag:s9] =	ssyncadd.s32 @!p2 $0xFFFFFF80  }
0xe0: {  	_ =	swait.ge @!p2 [sflag:s9], $0x80  }
0xe1: {  	s13 =	simm.s32 @!p2 $0x80;
	[sflag:s9] =	ssyncset.done @!p2 $0x0  }
0xe2: {  	s10 =	simm.s32 @!p2 $0x1A800;
	s15 =	simm.s32 @!p2 $0x1F880;
	[sflag:s9] =	ssyncadd.s32 @!p2 $0xFFFFFF80  }
0xe3: {  	[tilespmem:s10], [sflag:$0x4] =	stream.indirect.gather @!p2 [hbm4b:s5+s13], $0x80, s15, s13, $0xb8;
	[tilespmem:$0x1FA00] =	vst v63  }
0xe4: {  	s9 =	simm.s32 @!p2 $0x1F980;
	s10 =	simm.s32 @!p2 $0x1F000;
	s15 =	simm.s32 @!p0 $0x3  }
0xe5: {  	[tilespmem:s10], [sflag:$0x6] =	stream.indirect.gather @!p2 [hbm4b:s6+s13], $0x10, s9, s13, $0xb8;
	[tilespmem:$0x1FA00] =	vst v63  }
0xe6: {  	_ =	swait.ge @!p0 [sflag:s15], $0x4000  }
0xe7: {  	s9 =	simm.s32 @!p0 $0x16800;
	s10 =	simm.s32 @!p0 $0x7;
	[sflag:s15] =	ssyncset.done @!p0 $0x0  }
0xe8: {  	s13 =	simm.s32 @!p0 $0x80;
	[sflag:s15] =	ssyncadd.s32 @!p0 $0xFFFFC000;
	s15 =	simm.s32 @!p0 $0x1F900  }
0xe9: {  	[spmem:s2] =	stream.indirect.scatter.add.f32 @!p0 [tilespmem:s9], [sflag:$0x7], $0x80, s15, s13, $0xb8;
	[tilespmem:$0x1FA00] =	vst v63  }
0xea: {  	_ =	swait.ge @!p0 [sflag:s10], $0x4000  }
0xeb: {  	[sflag:s10] =	ssyncset.done @!p0 $0x0  }
0xec: {  	s9 =	simm.s32 @!p0 $0x5;
	[sflag:s10] =	ssyncadd.s32 @!p0 $0xFFFFC000  }
0xed: {  	_ =	swait.ge @!p0 [sflag:s9], $0x800  }
0xee: {  	p1 =	sge.u32 @!p0 s17, s30;
	s19 =	simm.s32 @!p0 $0x1E800;
	[sflag:s9] =	ssyncset.done @!p0 $0x0  }
0xef: {  	p3 =	por p1, p0;
	s15 =	simm.s32 @!p0 $0x1F800;
	[sflag:s9] =	ssyncadd.s32 @!p0 $0xFFFFF800  }
0xf0: {  	[spmem:s3] =	stream.indirect.scatter.add.f32 @!p0 [tilespmem:s19], [sflag:$0x7], $0x10, s15, s13, $0xb8;
	[tilespmem:$0x1FA00] =	vst v63  }
0xf1: {  	s9 =	sadd.s32 $0x1, s17;
	s15 =	simm.s32 @!p3 $0x0;
	_ =	swait.ge @!p0 [sflag:s10], $0x800  }
0xf2: {  	p1 =	sge.u32 s9, s18;
	s19 =	simm.s32 @!p3 $0x1F800;
	s13 =	rddreg [dreg:$0x4]  }
0xf3: {  	p2 =	sge.u32 @!p1 s9, s29;
	s17 =	rddreg [dreg:$0x5];
	[sflag:s10] =	ssyncset.done @!p0 $0x0  }
0xf4: {  	p2 =	por p2, p1;
	[sflag:s10] =	ssyncadd.s32 @!p0 $0xFFFFF800;
	s10 =	sadd.s32 @!p3 s14, s13  }
0xf5: {  	[tilespmem:s19], [sflag:$0x1] =	stream.linear.gather @!p3 [hbm4b:s10+s15], $0x80, $0x38;
	[tilespmem:$0x1FA00] =	vst v63  }
0xf6: {  	s13 =	sadd.s32 @!p3 s14, s17;
	s17 =	simm.s32 @!p2 $0x1;
	s10 =	simm.s32 @!p3 $0x1F900  }
0xf7: {  	[tilespmem:s10], [sflag:$0x1] =	stream.linear.gather @!p3 [hbm4b:s13+s15], $0x80, $0x38;
	[tilespmem:$0x1FA00] =	vst v63  }
0xf8: {  	_ =	swait.ge @!p2 [sflag:s17], $0x80  }
0xf9: {  	[sflag:s17] =	ssyncset.done @!p2 $0x0  }
0xfa: {  	[sflag:s17] =	ssyncadd.s32 @!p2 $0xFFFFFF80  }
0xfb: {  	_ =	swait.ge @!p2 [sflag:s17], $0x80  }
0xfc: {  	s10 =	simm.s32 @!p2 $0x16800;
	[sflag:s17] =	ssyncset.done @!p2 $0x0  }
0xfd: {  	s13 =	simm.s32 @!p2 $0x80;
	s15 =	simm.s32 @!p2 $0x1F800;
	[sflag:s17] =	ssyncadd.s32 @!p2 $0xFFFFFF80  }
0xfe: {  	[tilespmem:s10], [sflag:$0x3] =	stream.indirect.gather @!p2 [hbm4b:s5+s13], $0x80, s15, s13, $0xb8;
	[tilespmem:$0x1FA00] =	vst v63  }
0xff: {  	s17 =	simm.s32 @!p2 $0x1E800;
	s10 =	simm.s32 @!p1 $0x4;
	s15 =	simm.s32 @!p2 $0x1F900  }
0x100: {  	[tilespmem:s17], [sflag:$0x5] =	stream.indirect.gather @!p2 [hbm4b:s6+s13], $0x10, s15, s13, $0xb8;
	[tilespmem:$0x1FA00] =	vst v63  }
0x101: {  	_ =	swait.ge @!p1 [sflag:s10], $0x4000  }
0x102: {  	s13 =	simm.s32 @!p1 $0x7;
	s15 =	simm.s32 @!p1 $0x1A800;
	[sflag:s10] =	ssyncset.done @!p1 $0x0  }
0x103: {  	s17 =	simm.s32 @!p1 $0x1F980;
	[sflag:s10] =	ssyncadd.s32 @!p1 $0xFFFFC000;
	s10 =	simm.s32 @!p1 $0x80  }
0x104: {  	[spmem:s2] =	stream.indirect.scatter.add.f32 @!p1 [tilespmem:s15], [sflag:$0x7], $0x80, s17, s10, $0xb8;
	[tilespmem:$0x1FA00] =	vst v63  }
0x105: {  	_ =	swait.ge @!p1 [sflag:s13], $0x4000  }
0x106: {  	[sflag:s13] =	ssyncset.done @!p1 $0x0  }
0x107: {  	s15 =	simm.s32 @!p1 $0x6;
	[sflag:s13] =	ssyncadd.s32 @!p1 $0xFFFFC000  }
0x108: {  	_ =	swait.ge @!p1 [sflag:s15], $0x800  }
0x109: {  	[sflag:s15] =	ssyncset.done @!p1 $0x0  }
0x10a: {  	s19 =	simm.s32 @!p1 $0x1F000;
	s17 =	simm.s32 @!p1 $0x1F880;
	[sflag:s15] =	ssyncadd.s32 @!p1 $0xFFFFF800  }
0x10b: {  	[spmem:s3] =	stream.indirect.scatter.add.f32 @!p1 [tilespmem:s19], [sflag:$0x7], $0x10, s17, s10, $0xb8;
	[tilespmem:$0x1FA00] =	vst v63  }
0x10c: {  	p0 =	sge.u32 @!p1 s9, s30;
	_ =	swait.ge @!p1 [sflag:s13], $0x800  }
0x10d: {  	p0 =	por p0, p1;
	s9 =	rddreg [dreg:$0x6]  }
0x10e: {  	s15 =	simm.s32 @!p0 $0x0;
	[sflag:s13] =	ssyncset.done @!p1 $0x0;
	s10 =	rddreg [dreg:$0x7]  }
0x10f: {  	[sflag:s13] =	ssyncadd.s32 @!p1 $0xFFFFF800;
	s9 =	sadd.s32 @!p0 s14, s9;
	s13 =	simm.s32 @!p0 $0x1F880  }
0x110: {  	[tilespmem:s13], [sflag:$0x2] =	stream.linear.gather @!p0 [hbm4b:s9+s15], $0x80, $0x38;
	[tilespmem:$0x1FA00] =	vst v63  }
0x111: {  	s19 =	stileid.u32;
	s10 =	sadd.s32 @!p0 s14, s10;
	s9 =	simm.s32 @!p0 $0x1F980  }
0x112: {  	[tilespmem:s9], [sflag:$0x2] =	stream.linear.gather @!p0 [hbm4b:s10+s15], $0x80, $0x38;
	[tilespmem:$0x1FA00] =	vst v63  }
0x113: {  	s9 =	sshll.u32 s19, $0x6;
	[bflag:$0x0] =	sbarrier.arrive $0xFFFF  }
0x114: {  	s22 =	sshrl.u32 s7, $0x3;
	s9 =	sor.u32 $0x1C07, s9;
	s24 =	rddreg [dreg:$0x13]  }
0x115: {  	[hbm:s24], [sflag:s9] =	dma.local [spmem:s22], $0x2800  }
0x116: {  	s4 =	sadd.s32 $0x1, s4;
	_ =	swait.ge [sflag:s1], $0x2800  }
0x117: {  	s25 =	sshrl.u32 s8, $0x3;
	p0 =	sne.s32 s4, s28;
	[sflag:s1] =	ssyncset.done $0x0  }
.Ltmp2:
0x118: {  	s26 =	rddreg [dreg:$0x14];
	[sflag:s1] =	ssyncadd.s32 $0xFFFFD800;
	(pc) =	sbr.rel @p0 .LBB2_1-.Ltmp2, $4  }
0x119: {  	[hbm:s26], [sflag:s9] =	dma.local [spmem:s25], $0x500  }
0x11a: {  	_ =	swait.ge [sflag:s1], $0x500  }
0x11b: {  	[sflag:s1] =	ssyncset.done $0x0  }
0x11c: {  	[sflag:s1] =	ssyncadd.s32 $0xFFFFFB00  }
0x11d: {  	_ =	sfence.sel $0x180000  }
0x11e: {  	[bflag:$0x0] =	sbarrier.arrive $0xFFFF  }
0x11f: {  	_ =	strace $0x9000004A  }
0x120: {  	s0 =	stileid.u32;
	[bflag:$0x2] =	sbarrier.arrive $0xFFFF  }
0x121: {  	p0 =	sne.s32 s0, $0x0;
	s0 =	rddreg [dreg:$0x3]  }
0x122: {  	s0 =	sadd.s32 @!p0 $0x100000, s0  }
0x123: {  	[sflag:s0] =	ssyncadd.tile.s32 @!p0 $0x1;
	_ =	shalt  }
.Lfunc_end2:
_tile_overlayer_lowered:
.L_overlay_start_2:
0x124: {  	(tag) =	ssettag $0x2  }
0x125: {  	s0 =	rddreg [dreg:$0x0];
	s2 =	stileid.u32  }
0x126: {  	s1 =	rddreg [dreg:$0x1];
	p0 =	sne.s32 s2, $0x0  }
0x127: {  	s3 =	rddreg [dreg:$0x2];
	[bflag:$0x3] =	sbarrier.arrive $0xFFFF;
	s2 =	simm.s32 @!p0 $0x1C07  }
0x128: {  	[timem:s3], [sflag:s2] =	dma.local @!p0 [hbm:s0], s1  }
0x129: {  	s0 =	simm.s32 @!p0 $0x7  }
0x12a: {  	_ =	swait.ge @!p0 [sflag:s0], s1  }
0x12b: {  	s1 =	ssub.s32 @!p0 $0x0, s1;
	[sflag:s0] =	ssyncset.done @!p0 $0x0  }
0x12c: {  	[sflag:s0] =	ssyncadd.s32 @!p0 s1  }
0x12d: {  	[bflag:$0x3] =	sbarrier.arrive $0xFFFF  }
0x12e: {  	_ =	shalt  }

// kernel: kernel.7.cloned.1.call-start
scs
__scs_entry_jumppad:
0x0: {  	(pc) =	sbr.rel $0x88, $3  }
0x1: {  	(tag) =	ssettag $0x0;
	lr =	simm.s32 $0x1  }
0x2: {  	[smem:$0x3F9B] =	sst lr;
	_ =	strace $0xD0000000  }
0x3: {  	_ = 	snop  }
0x4: {  	_ = 	snop  }
0x5: {  	_ = 	snop  }
0x6: {  	_ = 	snop  }
0x7: {  	_ = 	snop  }
__scs_overlays_trampoline_lowered:
0x8: {  	[smem:$0x3FAA] =	sst s0  }
0x9: {  	[smem:$0x3FAB] =	sst s1  }
0xa: {  	[smem:$0x3FAC] =	sst s2  }
0xb: {  	[smem:$0x3FAD] =	sst s3  }
0xc: {  	[smem:$0x3FAE] =	sst s4  }
0xd: {  	[smem:$0x3FAF] =	sst s5  }
0xe: {  	[smem:$0x3FB0] =	sst s6  }
0xf: {  	[smem:$0x3FB1] =	sst s7  }
0x10: {  	[smem:$0x3FB2] =	sst s8  }
0x11: {  	[smem:$0x3FB3] =	sst s9;
	s0 =	simm.s32 @!p0 $0x0  }
0x12: {  	s1 =	sld [smem:$0x3F99];
	s0 =	simm.s32 @p0 $0x1  }
0x13: {  	[smem:$0x3FB4] =	sst s0;
	s0 =	simm.s32 @!p1 $0x0  }
0x14: {  	s2 =	sld [smem:$0x3F98];
	s0 =	simm.s32 @p1 $0x1  }
0x15: {  	[smem:$0x3FB5] =	sst s0;
	s0 =	simm.s32 @!p2 $0x0  }
0x16: {  	s3 =	sld [smem:$0x3FDB];
	s0 =	simm.s32 @p2 $0x1  }
0x17: {  	s4 =	simm.s32 $0x1BF5;
	[smem:$0x3FB7] =	sst s0  }
0x18: {  	s0 =	sld [smem:$0x3F9A];
	_ =	swait.ge [sflag:s4], $0x0  }
0x19: {  	s7 =	sld [smem:$0x3F9B]  }
0x1a: {  	s8 =	sadd.s32 $0xFFFFE003, lr  }
0x1b: {  	s9 =	sadd.s32 $0xFFFFFEF7, lr;
	s5 =	simm.s32 $0xFFFFFFFF;
	p2 =	slt.u32 s8, $0xFFFFF086  }
0x1c: {  	p1 =	slt.u32 s9, $0xF7A;
	s5 =	simm.s32 @!p2 $0x0  }
0x1d: {  	s5 =	simm.s32 @p1 $0x1;
	p0 =	seq.s32 s7, s2  }
0x1e: {  	s7 =	smul.u32 @!p0 $0xF7A, s2;
	p2 =	seq.s32 @!p0 s5, $0x0  }
0x1f: {  	s9 =	smul.u32 $0xF7A, s1;
	s8 =	simm.s32 @!p0 $0x1BF5;
	p2 =	por !p2, p0  }
0x20: {  	[sflag:s8] =	ssyncset.s32 @!p0 $0xFFFFF086;
	s6 =	sadd.s32 @!p0 s3, s7;
	s7 =	simm.s32 @!p0 $0x108  }
0x21: {  	s3 =	sadd.s32 s3, s9;
	s6 =	sadd.s32 @!p0 $0x88, s6;
	s7 =	simm.s32 @p2 $0x1082  }
0x22: {  	[simem:s7], [sflag:s8] =	dma.local @!p0 [hbm:s6], $0xF7A  }
0x23: {  	s9 =	sor.u32 $0xD0000000, s2;
	s6 =	simm.s32 $0x108;
	_ =	swait.ge @!p0 [sflag:s8], $0x0  }
0x24: {  	s3 =	sadd.s32 $0x88, s3;
	s6 =	simm.s32 @!p1 $0x1082;
	[sflag:s4] =	ssyncset.s32 $0xFFFFF086  }
0x25: {  	[simem:s6], [sflag:s4] =	dma.local [hbm:s3], $0xF7A  }
0x26: {  	[smem:$0x3F9B] =	sst s1;
	(tag) =	ssettag s2;
	_ =	strace s9  }
0x27: {  	s1 =	sld [smem:$0x3FAB]  }
0x28: {  	s2 =	sld [smem:$0x3FAC]  }
0x29: {  	s4 =	sld [smem:$0x3FAE]  }
0x2a: {  	p0 =	seq.s32 s5, $0x0;
	s5 =	sld [smem:$0x3FAF]  }
0x2b: {  	s6 =	sld [smem:$0x3FB0]  }
0x2c: {  	s7 =	sld [smem:$0x3FB1]  }
0x2d: {  	s3 =	simm.s32 $0x108;
	s8 =	sld [smem:$0x3FB2]  }
0x2e: {  	s3 =	simm.s32 @!p0 $0x1082;
	s9 =	sld [smem:$0x3FB3]  }
0x2f: {  	lr =	sadd.s32 s0, s3;
	s0 =	sld [smem:$0x3FAA]  }
0x30: {  	s3 =	sld [smem:$0x3FAD]  }
0x31: {  	[smem:$0x3FB6] =	sst s10  }
0x32: {  	s10 =	sld [smem:$0x3FB4];
	_ =	sdelay $0x3  }
0x33: {  	p0 =	seq.s32 s10, $0x1;
	s10 =	sld [smem:$0x3FB6];
	_ =	sdelay $0x3  }
0x34: {  	[smem:$0x3FB6] =	sst s10  }
0x35: {  	s10 =	sld [smem:$0x3FB5];
	_ =	sdelay $0x3  }
0x36: {  	p1 =	seq.s32 s10, $0x1;
	s10 =	sld [smem:$0x3FB6];
	_ =	sdelay $0x3  }
0x37: {  	[smem:$0x3FB6] =	sst s10  }
0x38: {  	s10 =	sld [smem:$0x3FB7]  }
0x39: {  	_ = 	snop;
	(pc) =	sbr.ind lr, $3  }
0x3a: {  	_ = 	snop  }
0x3b: {  	_ = 	snop  }
0x3c: {  	p2 =	seq.s32 s10, $0x1;
	s10 =	sld [smem:$0x3FB6]  }
0x3d: {  	_ =	shalt  }
0x3e: {  	_ =	shalt  }
0x3f: {  	_ =	shalt  }
0x40: {  	_ =	shalt  }
0x41: {  	_ =	shalt  }
0x42: {  	_ =	shalt  }
0x43: {  	_ =	shalt  }
0x44: {  	_ =	shalt  }
0x45: {  	_ =	shalt  }
0x46: {  	_ =	shalt  }
0x47: {  	_ =	shalt  }
0x48: {  	_ =	shalt  }
0x49: {  	_ =	shalt  }
0x4a: {  	_ =	shalt  }
0x4b: {  	_ =	shalt  }
0x4c: {  	_ =	shalt  }
0x4d: {  	_ =	shalt  }
0x4e: {  	_ =	shalt  }
0x4f: {  	_ =	shalt  }
0x50: {  	_ =	shalt  }
0x51: {  	_ =	shalt  }
0x52: {  	_ =	shalt  }
0x53: {  	_ =	shalt  }
0x54: {  	_ =	shalt  }
0x55: {  	_ =	shalt  }
0x56: {  	_ =	shalt  }
0x57: {  	_ =	shalt  }
0x58: {  	_ =	shalt  }
0x59: {  	_ =	shalt  }
0x5a: {  	_ =	shalt  }
0x5b: {  	_ =	shalt  }
0x5c: {  	_ =	shalt  }
0x5d: {  	_ =	shalt  }
0x5e: {  	_ =	shalt  }
0x5f: {  	_ =	shalt  }
0x60: {  	_ =	shalt  }
0x61: {  	_ =	shalt  }
0x62: {  	_ =	shalt  }
0x63: {  	_ =	shalt  }
0x64: {  	_ =	shalt  }
0x65: {  	_ =	shalt  }
0x66: {  	_ =	shalt  }
0x67: {  	_ =	shalt  }
0x68: {  	_ =	shalt  }
0x69: {  	_ =	shalt  }
0x6a: {  	_ =	shalt  }
0x6b: {  	_ =	shalt  }
0x6c: {  	_ =	shalt  }
0x6d: {  	_ =	shalt  }
0x6e: {  	_ =	shalt  }
0x6f: {  	_ =	shalt  }
0x70: {  	_ =	shalt  }
0x71: {  	_ =	shalt  }
0x72: {  	_ =	shalt  }
0x73: {  	_ =	shalt  }
0x74: {  	_ =	shalt  }
0x75: {  	_ =	shalt  }
0x76: {  	_ =	shalt  }
0x77: {  	_ =	shalt  }
0x78: {  	_ =	shalt  }
0x79: {  	_ =	shalt  }
0x7a: {  	_ =	shalt  }
0x7b: {  	_ =	shalt  }
0x7c: {  	_ =	shalt  }
0x7d: {  	_ =	shalt  }
0x7e: {  	_ =	shalt  }
0x7f: {  	_ =	shalt  }
0x80: {  	_ =	shalt  }
0x81: {  	_ =	shalt  }
0x82: {  	_ =	shalt  }
0x83: {  	_ =	shalt  }
0x84: {  	_ =	shalt  }
0x85: {  	_ =	shalt  }
0x86: {  	_ =	shalt  }
0x87: {  	_ =	shalt  }
.Lfunc_end0:
.L_simem_size_0:
called_computation_lowered:
.L_overlay_start_0:
0x88: {  	s2 =	sld [smem:$0x3FD9]  }
0x89: {  	s3 =	sld [smem:$0x3FFE];
	_ =	sdelay $0x1  }
0x8a: {  	s1 =	srdreg.scid  }
0x8b: {  	s0 =	sand.u32 $0x1, s1  }
0x8c: {  	s16 =	sshll.u32 s0, $0xA;
	s2 =	sadd.s32 s3, s2  }
0x8d: {  	s2 =	sadd.s32 s2, s16  }
0x8e: {  	[smem:$0x3FC2] =	sst s2  }
0x8f: {  	_ = 	snop  }
0x90: {  	(tm) =	ssettm $0x1  }
0x91: {  	s17 =	sld [smem:$0x3FFB];
	_ =	sdelay $0x3  }
0x92: {  	_ =	strace s17  }
0x93: {  	s2 =	sld [smem:$0x3FFC];
	_ =	sdelay $0x3  }
0x94: {  	_ =	strace s2  }
0x95: {  	s2 =	sld [smem:$0x3FFD];
	_ =	sdelay $0x3  }
0x96: {  	_ =	strace s2  }
0x97: {  	_ =	strace $0x8FFFFFFF  }
0x98: {  	s18 =	sld [smem:$0x3FDB];
	_ =	sdelay $0x1  }
0x99: {  	s19 =	simm.s32 $_scs_section_size  }
0x9a: {  	s4 =	simm.s32 $_size__tile_overlayer_lowered;
	s5 =	simm.s32 $_tile_overlayer_lowered  }
0x9b: {  	s22 =	simm.s32 $0x1BFF;
	s21 =	sshll.u32 s5, $0x1;
	s2 =	sadd.s32 s19, s18  }
0x9c: {  	s6 =	simm.s32 $0x0;
	s20 =	sshll.u32 s4, $0x1;
	s4 =	sadd.s32 s21, s2  }
0x9d: {  	[timem:s6], [sflag:s22] =	dma.local [hbm:s4], s20  }
0x9e: {  	_ =	swait.ge [sflag:s22], s20  }
0x9f: {  	s3 =	ssub.s32 $0x0, s20;
	[sflag:s22] =	ssyncset.done $0x0  }
0xa0: {  	[sflag:s22] =	ssyncadd.s32 s3;
	_ =	sdelay $0x1  }
0xa1: {  	s23 =	simm.s32 $0x1B8B  }
0xa2: {  	_ =	swait.ge [sflag:s23], $0x1  }
0xa3: {  	[sflag:s23] =	ssyncset.done $0x0  }
0xa4: {  	s25 =	simm.s32 $0x1B8E;
	s24 =	sld [smem:$0x3FFE];
	[sflag:s23] =	ssyncadd.s32 $0xFFFFFFFF  }
0xa5: {  	s26 =	simm.s32 $execute0_lowered;
	[smem:$0x3FD2] =	sst s25  }
0xa6: {  	s4 =	sshll.u32 s26, $0x1;
	_ =	strace $0x80000046;
	[dreg:$0x1] =	wrdreg $0xFFFFFFFF  }
0xa7: {  	s28 =	simm.s32 $_size_execute0_lowered;
	s2 =	sadd.s32 s2, s4;
	[dreg:$0x0] =	wrdreg $0x0  }
0xa8: {  	s4 =	sshll.u32 s28, $0x1;
	[dreg:$0x2] =	wrdreg s2  }
0xa9: {  	[dreg:$0x3] =	wrdreg s4  }
0xaa: {  	[dreg:$0x4] =	wrdreg $0xC0  }
0xab: {  	_ =	task [dreg:s6], $0x5FFFF  }
0xac: {  	[dreg:$0x1] =	wrdreg $0xFFFFFFFF  }
0xad: {  	[dreg:$0x0] =	wrdreg $0x60  }
0xae: {  	[dreg:$0x2] =	wrdreg s24  }
0xaf: {  	[dreg:$0x3] =	wrdreg $0x0  }
0xb0: {  	[dreg:$0x4] =	wrdreg $0x9  }
0xb1: {  	_ =	task.clear_ibuf [dreg:s6], $0x5FFFF;
	_ =	strace $0x90000046  }
0xb2: {  	s29 =	simm.s32 $0x9;
	_ =	strace $0x80000048  }
0xb3: {  	_ =	swait.ge [sflag:s29], $0x1  }
0xb4: {  	[sflag:s29] =	ssyncadd.s32 $0xFFFFFFFF  }
0xb5: {  	_ =	strace $0x90000048  }
0xb6: {  	_ =	sfence  }
0xb7: {  	s30 =	sld [smem:$0x0];
	_ =	sdelay $0x2  }
0xb8: {  	s31 =	sshll.u32 s1, $0xD;
	s1 =	sshrl.u32 s1, $0x2  }
0xb9: {  	s3 =	sand.u32 $0x4000, s31;
	s1 =	sadd.s32 s1, s30  }
0xba: {  	s0 =	sor.u32 s3, s0;
	s1 =	sshll.u32 s1, $0x11  }
0xbb: {  	s0 =	sor.u32 s1, s0  }
0xbc: {  	s0 =	sadd.s32 $0x8F2B, s0  }
0xbd: {  	[sflag:s0] =	ssyncadd.remote.s32 $0x1  }
0xbe: {  	_ =	sfence.sel $0xFFFF  }
0xbf: {  	[dreg:$0x0] =	wrdreg $0xFFFFFFFF;
	(pc) =	sbr.abs _section_cstart, $3  }
0xc0: {  	[dreg:$0x1] =	wrdreg $0xFFFFFFFF  }
0xc1: {  	_ =	task.clear_ibuf [dreg:s6], $0x2FFFF;
	_ =	strace $0x9FFFFFFF  }
0xc2: {  	(tm) =	ssettm $0x7FFFFFFF  }
0xc3: {  	_ =	shalt  }
tec
execute0_lowered:
.L_overlay_start_1:
0x0: {  	(tag) =	ssettag $0x1  }
0x1: {  	s4 =	rddreg [dreg:$0x0]  }
0x2: {  	s0 =	srdreg.scid;
	s9 =	rddreg [dreg:$0x1]  }
0x3: {  	s2 =	simm.s32 $0x0;
	s14 =	simm.s32 $0xAA50;
	s15 =	simm.s32 $0x2800  }
0x4: {  	s16 =	simm.s32 $0x2;
	s17 =	simm.s32 $0x3;
	s3 =	sand.u32 $0x1, s0  }
0x5: {  	s18 =	simm.s32 $0x280;
	s0 =	stileid.u32;
	s6 =	smul.u32 $0x28000, s3  }
0x6: {  	s19 =	simm.s32 $0x5000;
	s20 =	simm.s32 $0x7A80;
	s7 =	smul.u32 $0x2800, s0  }
0x7: {  	s21 =	simm.s32 $0x0;
	s1 =	sshll.u32 s3, $0x4;
	s31 =	smul.u32 $0xA000, s0  }
0x8: {  	s3 =	ssub.s32 $0x2, s3;
	s12 =	smul.u32 $0xA00, s0;
	s1 =	sor.u32 s0, s1  }
0x9: {  	[smem:$0x7FF] =	sst s2;
	s30 =	sshrl.u32 s3, $0x1;
	s5 =	smul.u32 $0x2710, s1  }
0xa: {  	s1 =	rddreg [dreg:$0x2];
	_ =	strace $0x80000047;
	s29 =	sadd.s32 s7, s6  }
0xb: {  	s11 =	ssub.s32 s3, s30;
	s13 =	sshrl.u32 s31, $0x2;
	s5 =	sshrl.u32 s5, $0x3  }
0xc: {  	s12 =	sshrl.u32 s12, $0x2;
	s8 =	sadd.s32 s5, s4;
	s5 =	sshrl.u32 s29, $0x3  }
0xd: {  	s11 =	smax.u32 s11, $0x1;
	s10 =	sadd.s32 s5, s4;
	s3 =	sadd.s32 $0xC040, s8  }
0xe: {  	s4 =	sadd.s32 $0xC13A, s8;
	s5 =	sadd.s32 $0xC234, s8;
	s6 =	sadd.s32 $0xC32E, s8  }
0xf: {  	v2 =	vlaneseq.u32;
	s7 =	sadd.s32 $0xC428, s8;
	s8 =	sadd.s32 s13, s9;
	s9 =	sadd.s32 s12, s9  }
0x10: {  	v0 =	vimm.f32 $0.0e+00;
	v1 =	vimm.f32 $1.000000000e+00;
	v2 =	vmul.u32 $0x10, v2;
	s12 =	simm.s32 $0xA280;
	s13 =	simm.s32 $0x1;
	s10 =	sadd.s32 $0x15E00, s10  }
.LBB2_1:
0x11: {  	[tilespmem:s12], [sflag:$0x1] =	stream.linear.gather [hbm4b:s3+s2], $0x7D0, $0x38;
	[tilespmem:$0xB220] =	vst v63  }
0x12: {  	s22 =	simm.s32 $0x40;
	s23 =	simm.s32 $0x0  }
.LBB2_2:
0x13: {  	p0 =	sne.s32 s22, $0x9FC0;
	[tilespmem:s23+$0x2800] =	vst v0;
	s23 =	smov.u32 s22;
	s22 =	sadd.s32 $0x40, s22  }
.Ltmp0:
0x14: {  	(pc) =	sbr.rel @p0 .LBB2_2-.Ltmp0, $2  }
0x15: {  	_ =	sdelay $0x2  }
0x16: {  	s23 =	sshra.s32 s23, $0x2  }
0x17: {  	[tilespmem:s23+$0x2800] =	vst v0  }
0x18: {  	_ =	swait.ge [sflag:s13], $0x7D0  }
0x19: {  	[sflag:s13] =	ssyncset.done $0x0  }
0x1a: {  	s22 =	simm.s32 $0x0;
	[sflag:s13] =	ssyncadd.s32 $0xFFFFF830  }
0x1b: {  	[tilespmem:s14], [sflag:$0x2] =	stream.linear.gather [hbm4b:s4+s22], $0x7D0, $0x38;
	[tilespmem:$0xB220] =	vst v63  }
0x1c: {  	s23 =	simm.s32 $0x0;
	s22 =	simm.s32 $0x40  }
.LBB2_4:
0x1d: {  	p0 =	sne.s32 s22, $0x1F00;
	v3 =	vld [tilespmem:s23+$0xA280];
	_ =	sdelay $0x3  }
.Ltmp1:
0x1e: {  	(pc) =	sbr.rel @p0 .LBB2_4-.Ltmp1, $2  }
0x1f: {  	_ =	sdelay $0x2  }
0x20: {  	s23 =	sshra.s32 s22, $0x2;
	s22 =	sadd.s32 $0x40, s22;
	[tilespmem:v3+s15+$0x0] =	vst.idx.add.f32.msk $0xffff, v1  }
0x21: {  	v3 =	vld [tilespmem:s23+$0xA280];
	_ =	sdelay $0x7  }
0x22: {  	[tilespmem:v3+s15+$0x0] =	vst.idx.add.f32.msk $0xffff, v1  }
0x23: {  	_ =	swait.ge [sflag:s16], $0x7D0  }
0x24: {  	[sflag:s16] =	ssyncset.done $0x0  }
0x25: {  	s22 =	simm.s32 $0x0;
	[sflag:s16] =	ssyncadd.s32 $0xFFFFF830  }
0x26: {  	[tilespmem:s12], [sflag:$0x1] =	stream.linear.gather [hbm4b:s5+s22], $0x7D0, $0x38;
	[tilespmem:$0xB220] =	vst v63  }
0x27: {  	s23 =	simm.s32 $0x0;
	s22 =	simm.s32 $0x40  }
.LBB2_6:
0x28: {  	p0 =	sne.s32 s22, $0x1F00;
	v3 =	vld [tilespmem:s23+$0xAA50];
	_ =	sdelay $0x3  }
.Ltmp2:
0x29: {  	(pc) =	sbr.rel @p0 .LBB2_6-.Ltmp2, $2  }
0x2a: {  	_ =	sdelay $0x2  }
0x2b: {  	s23 =	sshra.s32 s22, $0x2;
	s22 =	sadd.s32 $0x40, s22;
	[tilespmem:v3+s15+$0x0] =	vst.idx.add.f32.msk $0xffff, v1  }
0x2c: {  	v3 =	vld [tilespmem:s23+$0xAA50];
	_ =	sdelay $0x7  }
0x2d: {  	[tilespmem:v3+s15+$0x0] =	vst.idx.add.f32.msk $0xffff, v1  }
0x2e: {  	_ =	swait.ge [sflag:s13], $0x7D0  }
0x2f: {  	[sflag:s13] =	ssyncset.done $0x0  }
0x30: {  	s22 =	simm.s32 $0x0;
	[sflag:s13] =	ssyncadd.s32 $0xFFFFF830  }
0x31: {  	[tilespmem:s14], [sflag:$0x2] =	stream.linear.gather [hbm4b:s6+s22], $0x7D0, $0x38;
	[tilespmem:$0xB220] =	vst v63  }
0x32: {  	s23 =	simm.s32 $0x0;
	s22 =	simm.s32 $0x40  }
.LBB2_8:
0x33: {  	p0 =	sne.s32 s22, $0x1F00;
	v3 =	vld [tilespmem:s23+$0xA280];
	_ =	sdelay $0x3  }
.Ltmp3:
0x34: {  	(pc) =	sbr.rel @p0 .LBB2_8-.Ltmp3, $2  }
0x35: {  	_ =	sdelay $0x2  }
0x36: {  	s23 =	sshra.s32 s22, $0x2;
	s22 =	sadd.s32 $0x40, s22;
	[tilespmem:v3+s15+$0x0] =	vst.idx.add.f32.msk $0xffff, v1  }
0x37: {  	v3 =	vld [tilespmem:s23+$0xA280];
	_ =	sdelay $0x7  }
0x38: {  	[tilespmem:v3+s15+$0x0] =	vst.idx.add.f32.msk $0xffff, v1  }
0x39: {  	_ =	swait.ge [sflag:s16], $0x7D0  }
0x3a: {  	[sflag:s16] =	ssyncset.done $0x0  }
0x3b: {  	s22 =	simm.s32 $0x0;
	[sflag:s16] =	ssyncadd.s32 $0xFFFFF830  }
0x3c: {  	[tilespmem:s12], [sflag:$0x1] =	stream.linear.gather [hbm4b:s7+s22], $0x7D0, $0x38;
	[tilespmem:$0xB220] =	vst v63  }
0x3d: {  	s23 =	simm.s32 $0x0;
	s22 =	simm.s32 $0x40  }
.LBB2_10:
0x3e: {  	p0 =	sne.s32 s22, $0x1F00;
	v3 =	vld [tilespmem:s23+$0xAA50];
	_ =	sdelay $0x3  }
.Ltmp4:
0x3f: {  	(pc) =	sbr.rel @p0 .LBB2_10-.Ltmp4, $2  }
0x40: {  	_ =	sdelay $0x2  }
0x41: {  	s23 =	sshra.s32 s22, $0x2;
	s22 =	sadd.s32 $0x40, s22;
	[tilespmem:v3+s15+$0x0] =	vst.idx.add.f32.msk $0xffff, v1  }
0x42: {  	v3 =	vld [tilespmem:s23+$0xAA50];
	_ =	sdelay $0x7  }
0x43: {  	[tilespmem:v3+s15+$0x0] =	vst.idx.add.f32.msk $0xffff, v1  }
0x44: {  	_ =	swait.ge [sflag:s13], $0x7D0  }
0x45: {  	[sflag:s13] =	ssyncset.done $0x0  }
0x46: {  	s23 =	simm.s32 $0x0;
	s22 =	simm.s32 $0x40;
	[sflag:s13] =	ssyncadd.s32 $0xFFFFF830  }
.LBB2_12:
0x47: {  	p0 =	sne.s32 s22, $0x1F00;
	v3 =	vld [tilespmem:s23+$0xA280];
	_ =	sdelay $0x3  }
.Ltmp5:
0x48: {  	(pc) =	sbr.rel @p0 .LBB2_12-.Ltmp5, $2  }
0x49: {  	_ =	sdelay $0x2  }
0x4a: {  	s23 =	sshra.s32 s22, $0x2;
	s22 =	sadd.s32 $0x40, s22;
	[tilespmem:v3+s15+$0x0] =	vst.idx.add.f32.msk $0xffff, v1  }
0x4b: {  	v3 =	vld [tilespmem:s23+$0xA280];
	_ =	sdelay $0x7  }
0x4c: {  	[tilespmem:v3+s15+$0x0] =	vst.idx.add.f32.msk $0xffff, v1  }
0x4d: {  	[spmem:s8] =	stream.linear.scatter [tilespmem:s15], [sflag:$0x3], $0x2800, $0x38;
	[tilespmem:$0xB220] =	vst v63  }
0x4e: {  	_ =	swait.ge [sflag:s17], $0x2800  }
0x4f: {  	[sflag:s17] =	ssyncset.done $0x0  }
0x50: {  	[sflag:s17] =	ssyncadd.s32 $0xFFFFD800  }
0x51: {  	[bflag:$0x0] =	sbarrier.arrive $0xFFFF  }
0x52: {  	[tilespmem:s19], [sflag:$0x3] =	stream.strided.gather [spmem:s9], $0x2800, s15, s18, $0x38;
	[tilespmem:$0xB220] =	vst v63  }
0x53: {  	_ =	swait.ge [sflag:s17], $0x2800  }
0x54: {  	[sflag:s17] =	ssyncset.done $0x0  }
0x55: {  	s22 =	simm.s32 $0x6400;
	[sflag:s17] =	ssyncadd.s32 $0xFFFFD800  }
0x56: {  	v3 =	vld [tilespmem:s22+$0xFFFFEE80]  }
0x57: {  	v4 =	vld [tilespmem:s22+$0xFFFFEC00];
	_ =	sdelay $0x1  }
0x58: {  	v5 =	vld [tilespmem:s22+$0xFFFFF100];
	_ =	sdelay $0x1  }
0x59: {  	v6 =	vld [tilespmem:s22+$0xFFFFF380]  }
0x5a: {  	v3 =	vadd.f32 v3, v4  }
0x5b: {  	v4 =	vld [tilespmem:s22+$0xFFFFF600]  }
0x5c: {  	v3 =	vadd.f32 v5, v3  }
0x5d: {  	v5 =	vld [tilespmem:s22+$0xFFFFF880]  }
0x5e: {  	v3 =	vadd.f32 v6, v3  }
0x5f: {  	v6 =	vld [tilespmem:s22+$0xFFFFFB00]  }
0x60: {  	v3 =	vadd.f32 v4, v3  }
0x61: {  	v4 =	vld [tilespmem:s22+$0xFFFFFD80]  }
0x62: {  	v3 =	vadd.f32 v5, v3  }
0x63: {  	v5 =	vld [tilespmem:s22+$0x0]  }
0x64: {  	v3 =	vadd.f32 v6, v3  }
0x65: {  	v6 =	vld [tilespmem:s22+$0x280]  }
0x66: {  	v3 =	vadd.f32 v4, v3  }
0x67: {  	v4 =	vld [tilespmem:s22+$0x500]  }
0x68: {  	v3 =	vadd.f32 v5, v3  }
0x69: {  	v5 =	vld [tilespmem:s22+$0x780]  }
0x6a: {  	v3 =	vadd.f32 v6, v3  }
0x6b: {  	v6 =	vld [tilespmem:s22+$0xA00]  }
0x6c: {  	v3 =	vadd.f32 v4, v3  }
0x6d: {  	v4 =	vld [tilespmem:s22+$0xC80]  }
0x6e: {  	v3 =	vadd.f32 v5, v3  }
0x6f: {  	v5 =	vld [tilespmem:s22+$0xF00]  }
0x70: {  	v3 =	vadd.f32 v6, v3  }
0x71: {  	s31 =	simm.s32 $0x0;
	v6 =	vld [tilespmem:s22+$0x1180]  }
0x72: {  	v3 =	vadd.f32 v4, v3;
	v4 =	vmov s31  }
0x73: {  	v4 =	vshll.u32 v4, $0x4  }
0x74: {  	v3 =	vadd.f32 v5, v3;
	v4 =	vor.u32 v2, v4;
	_ =	sdelay $0x1  }
0x75: {  	v3 =	vadd.f32 v6, v3  }
0x76: {  	s22 =	simm.s32 $0x7800  }
0x77: {  	[tilespmem:s22+$0x0] =	vst v3  }
0x78: {  	s23 =	simm.s32 $0x6410;
	[tilespmem:v4+s20+$0x0] =	vst.idx.msk $0xffff, v3  }
0x79: {  	v3 =	vld [tilespmem:s23+$0xFFFFEE80]  }
0x7a: {  	v4 =	vld [tilespmem:s23+$0xFFFFEC00]  }
0x7b: {  	s24 =	simm.s32 $0x10;
	s25 =	simm.s32 $0x20  }
.LBB2_14:
0x7c: {  	p0 =	sne.s32 s25, $0x270;
	v5 =	vld [tilespmem:s23+$0xFFFFF100];
	_ =	sdelay $0x1  }
0x7d: {  	v6 =	vld [tilespmem:s23+$0xFFFFF380]  }
0x7e: {  	v3 =	vadd.f32 v3, v4  }
0x7f: {  	v4 =	vld [tilespmem:s23+$0xFFFFF600]  }
0x80: {  	v3 =	vadd.f32 v5, v3  }
0x81: {  	v5 =	vld [tilespmem:s23+$0xFFFFF880]  }
0x82: {  	v3 =	vadd.f32 v6, v3  }
0x83: {  	v6 =	vld [tilespmem:s23+$0xFFFFFB00]  }
0x84: {  	v3 =	vadd.f32 v4, v3  }
0x85: {  	v4 =	vld [tilespmem:s23+$0xFFFFFD80]  }
0x86: {  	v3 =	vadd.f32 v5, v3  }
0x87: {  	v5 =	vld [tilespmem:s23+$0x0]  }
0x88: {  	v3 =	vadd.f32 v6, v3  }
0x89: {  	v6 =	vld [tilespmem:s23+$0x280]  }
0x8a: {  	v3 =	vadd.f32 v4, v3  }
0x8b: {  	v4 =	vld [tilespmem:s23+$0x500]  }
0x8c: {  	v3 =	vadd.f32 v5, v3  }
0x8d: {  	v5 =	vld [tilespmem:s23+$0x780]  }
0x8e: {  	v3 =	vadd.f32 v6, v3  }
0x8f: {  	v6 =	vld [tilespmem:s23+$0xA00]  }
0x90: {  	v3 =	vadd.f32 v4, v3  }
0x91: {  	v4 =	vld [tilespmem:s23+$0xC80]  }
0x92: {  	v3 =	vadd.f32 v5, v3  }
0x93: {  	v5 =	vld [tilespmem:s23+$0xF00]  }
0x94: {  	v3 =	vadd.f32 v6, v3  }
0x95: {  	v6 =	vld [tilespmem:s23+$0x1180]  }
0x96: {  	v3 =	vadd.f32 v4, v3;
	v4 =	vmov s24;
	s24 =	smov.u32 s25  }
0x97: {  	v4 =	vshll.u32 v4, $0x4  }
0x98: {  	v3 =	vadd.f32 v5, v3;
	v4 =	vor.u32 v2, v4;
	_ =	sdelay $0x1  }
0x99: {  	v3 =	vadd.f32 v6, v3  }
0x9a: {  	s22 =	sadd.s32 $0x10, s22  }
.Ltmp6:
0x9b: {  	[tilespmem:s22+$0x0] =	vst v3;
	(pc) =	sbr.rel @p0 .LBB2_14-.Ltmp6, $4  }
0x9c: {  	s23 =	sadd.s32 $0x10, s23;
	[tilespmem:v4+s20+$0x0] =	vst.idx.msk $0xffff, v3  }
0x9d: {  	v3 =	vld [tilespmem:s23+$0xFFFFEE80]  }
0x9e: {  	v4 =	vld [tilespmem:s23+$0xFFFFEC00]  }
0x9f: {  	s25 =	sadd.s32 $0x10, s25  }
0xa0: {  	v5 =	vld [tilespmem:s23+$0xFFFFF100];
	_ =	sdelay $0x1  }
0xa1: {  	v6 =	vld [tilespmem:s23+$0xFFFFF380]  }
0xa2: {  	v3 =	vadd.f32 v3, v4  }
0xa3: {  	v51 =	vld [tilespmem:s23+$0xFFFFF600]  }
0xa4: {  	v3 =	vadd.f32 v5, v3  }
0xa5: {  	v52 =	vld [tilespmem:s23+$0xFFFFF880]  }
0xa6: {  	v3 =	vadd.f32 v6, v3  }
0xa7: {  	v53 =	vld [tilespmem:s23+$0xFFFFFB00]  }
0xa8: {  	v3 =	vadd.f32 v51, v3  }
0xa9: {  	v54 =	vld [tilespmem:s23+$0xFFFFFD80]  }
0xaa: {  	v3 =	vadd.f32 v52, v3  }
0xab: {  	v55 =	vld [tilespmem:s23+$0x0]  }
0xac: {  	v3 =	vadd.f32 v53, v3  }
0xad: {  	v56 =	vld [tilespmem:s23+$0x280]  }
0xae: {  	v3 =	vadd.f32 v54, v3  }
0xaf: {  	v57 =	vld [tilespmem:s23+$0x500]  }
0xb0: {  	v3 =	vadd.f32 v55, v3  }
0xb1: {  	v58 =	vld [tilespmem:s23+$0x780]  }
0xb2: {  	v3 =	vadd.f32 v56, v3  }
0xb3: {  	v59 =	vld [tilespmem:s23+$0xA00]  }
0xb4: {  	v3 =	vadd.f32 v57, v3  }
0xb5: {  	v60 =	vld [tilespmem:s23+$0xC80]  }
0xb6: {  	v3 =	vadd.f32 v58, v3  }
0xb7: {  	v61 =	vld [tilespmem:s23+$0xF00]  }
0xb8: {  	v3 =	vadd.f32 v59, v3  }
0xb9: {  	v62 =	vld [tilespmem:s23+$0x1180]  }
0xba: {  	v63 =	vmov s24;
	v3 =	vadd.f32 v60, v3  }
0xbb: {  	v4 =	vshll.u32 v63, $0x4  }
0xbc: {  	v4 =	vor.u32 v2, v4;
	v3 =	vadd.f32 v61, v3;
	_ =	sdelay $0x1  }
0xbd: {  	v3 =	vadd.f32 v62, v3  }
0xbe: {  	s22 =	sadd.s32 $0x10, s22;
	s21 =	sadd.s32 $0x1, s21  }
0xbf: {  	p0 =	sne.s32 s21, s11;
	[tilespmem:s22+$0x0] =	vst v3  }
.Ltmp7:
0xc0: {  	[tilespmem:v4+s20+$0x0] =	vst.idx.msk $0xffff, v3;
	(pc) =	sbr.rel @p0 .LBB2_1-.Ltmp7, $4  }
0xc1: {  	[hbm4b:s10+s2] =	stream.linear.scatter [tilespmem:s20], [sflag:$0x3], $0x2800, $0x38;
	[tilespmem:$0xB220] =	vst v63  }
0xc2: {  	_ =	swait.ge [sflag:s17], $0x2800  }
0xc3: {  	[sflag:s17] =	ssyncset.done $0x0  }
0xc4: {  	[sflag:s17] =	ssyncadd.s32 $0xFFFFD800  }
0xc5: {  	_ =	sfence.sel $0x180000  }
0xc6: {  	[bflag:$0x0] =	sbarrier.arrive $0xFFFF  }
0xc7: {  	p0 =	sne.s32 s0, $0x0;
	_ =	strace $0x90000047  }
0xc8: {  	s0 =	sadd.s32 @!p0 $0x100000, s1;
	[bflag:$0x2] =	sbarrier.arrive $0xFFFF  }
0xc9: {  	[sflag:s0] =	ssyncadd.tile.s32 @!p0 $0x1;
	_ =	shalt  }
.Lfunc_end2:
_tile_overlayer_lowered:
.L_overlay_start_2:
0xca: {  	(tag) =	ssettag $0x2  }
0xcb: {  	s0 =	rddreg [dreg:$0x0];
	s2 =	stileid.u32  }
0xcc: {  	s1 =	rddreg [dreg:$0x1];
	p0 =	sne.s32 s2, $0x0  }
0xcd: {  	s3 =	rddreg [dreg:$0x2];
	[bflag:$0x3] =	sbarrier.arrive $0xFFFF;
	s2 =	simm.s32 @!p0 $0x1C03  }
0xce: {  	[timem:s3], [sflag:s2] =	dma.local @!p0 [hbm:s0], s1  }
0xcf: {  	s0 =	simm.s32 @!p0 $0x3  }
0xd0: {  	_ =	swait.ge @!p0 [sflag:s0], s1  }
0xd1: {  	s1 =	ssub.s32 @!p0 $0x0, s1;
	[sflag:s0] =	ssyncset.done @!p0 $0x0  }
0xd2: {  	[sflag:s0] =	ssyncadd.s32 @!p0 s1  }
0xd3: {  	[bflag:$0x3] =	sbarrier.arrive $0xFFFF  }
0xd4: {  	_ =	shalt  }

</sc_bundles>
